<compile_context>
chip_gen: v7x
topology: tpu7x:2x2x1
jax: 0.10.2.dev20260603
libtpu: 0.0.44.dev20260713+nightly
codegen_flags: <defaults>
</compile_context>

<pallas_src>
import functools

import jax
import jax.numpy as jnp
from jax import lax
from jax.experimental import pallas as pl
from jax.experimental.pallas import tpu as pltpu
from jax.experimental.pallas import tpu_sc as plsc

N = 10000
E = 320000
G = 16
D = 128
NC = 2
NS = 16
C = 128
PR = 80
EP = NC * NS * PR * C
NP = N + 16
NR = 10112

_mesh = plsc.VectorSubcoreMesh(core_axis_name="c", subcore_axis_name="s",
                               num_cores=NC, num_subcores=NS)


def _worker():
    cid = lax.axis_index("c")
    sid = lax.axis_index("s")
    w = cid * NS + sid
    return cid, sid, w


def _zero_fill(ref, nwords):
    z = jnp.zeros((16,), jnp.float32)

    def body(t, carry):
        for u in range(4):
            ref[pl.ds(t * 64 + u * 16, 16)] = z
        return carry
    lax.fori_loop(0, nwords // 64, body, 0)
    for r in range(nwords // 64 * 64, nwords, 16):
        ref[pl.ds(r, 16)] = z


@functools.partial(
    pl.kernel,
    out_type=jax.ShapeDtypeStruct((NC, NS, NR), jnp.float32),
    mesh=_mesh,
    compiler_params=pltpu.CompilerParams(needs_layout_passes=False),
    scratch_types=[
        pltpu.VMEM((PR * C,), jnp.int32),
        pltpu.VMEM((NR,), jnp.float32),
    ],
)
def _deg_kernel(dst1d, out, dstbuf, hist):
    cid, sid, w = _worker()

    _zero_fill(hist, NR)
    pltpu.sync_copy(dst1d.at[pl.ds(w * PR * C, PR * C)], dstbuf)

    ones16 = jnp.ones((16,), jnp.float32)

    def sc(t, carry):
        for u in range(4):
            d = dstbuf[pl.ds(t * 64 + u * 16, 16)]
            plsc.addupdate_scatter(hist, [d], ones16)
        return carry
    lax.fori_loop(0, PR * C // 64, sc, 0)

    pltpu.sync_copy(hist, out.at[cid, sid])


@functools.partial(
    pl.kernel,
    out_type=jax.ShapeDtypeStruct((NC, NS, NR), jnp.float32),
    mesh=_mesh,
    compiler_params=pltpu.CompilerParams(needs_layout_passes=False),
    scratch_types=[
        pltpu.VMEM((PR * C,), jnp.int32),
        pltpu.VMEM((PR * C,), jnp.int32),
        pltpu.VMEM((PR * C,), jnp.int32),
        pltpu.VMEM((PR * C,), jnp.float32),
        pltpu.VMEM((PR * C,), jnp.int32),
        pltpu.VMEM((NR,), jnp.float32),
        pltpu.VMEM_SHARED((G * NR,), jnp.float32),
        pltpu.VMEM_SHARED((NP,), jnp.int32),
        pltpu.VMEM((NP,), jnp.int32),
        pltpu.SemaphoreType.DMA,
        pltpu.SemaphoreType.DMA,
    ],
)
def _t_kernel(src1d, dst1d, pk, out,
              srcbuf, dstbuf, gbuf, vbuf, ibuf, zbuf, t_sh, pk_sh, pk_vb,
              sem_g, sem_s):
    cid, sid, w = _worker()

    @pl.when(sid == 0)
    def _():
        pltpu.sync_copy(pk, pk_vb)
        pltpu.sync_copy(pk_vb, pk_sh)

    _zero_fill(zbuf, NR)
    pltpu.sync_copy(zbuf, t_sh.at[pl.ds(sid * NR, NR)])

    pltpu.sync_copy(src1d.at[pl.ds(w * PR * C, PR * C)], srcbuf)
    pltpu.sync_copy(dst1d.at[pl.ds(w * PR * C, PR * C)], dstbuf)

    plsc.subcore_barrier()
    pltpu.async_copy(pk_sh.at[dstbuf], gbuf, sem_g).wait()

    def ib(t, carry):
        for q in range(4):
            sl = pl.ds(t * 64 + q * 16, 16)
            u = gbuf[sl]
            g = lax.shift_right_logical(u, 28)
            vbits = lax.shift_left(u & jnp.int32(0x0FFFFFFF), 2)
            vbuf[sl] = plsc.bitcast(vbits, jnp.float32)
            ibuf[sl] = g * NR + srcbuf[sl]
        return carry
    lax.fori_loop(0, PR * C // 64, ib, 0)

    plsc.subcore_barrier()

    pltpu.async_copy(vbuf, t_sh.at[ibuf], sem_s, add=True).wait()

    plsc.subcore_barrier()

    pltpu.sync_copy(t_sh.at[pl.ds(sid * NR, NR)], out.at[cid, sid])


def _dinv_body(dp_ref, ii_ref, dv_ref, pk_ref):
    dsum = jnp.sum(dp_ref[...], axis=0, keepdims=True)[:, :N]
    dinv = lax.rsqrt(dsum + 1.0)
    dv_ref[...] = dinv
    dbits = lax.bitcast_convert_type(dinv, jnp.int32)
    packed = (lax.shift_left(ii_ref[...], 28)
              | lax.shift_right_logical(dbits + 2, 2))
    pk_ref[0, :N] = packed[0]
    pk_ref[0, N:] = jnp.zeros((NP - N,), jnp.int32)


def _head_body(tp_ref, dv_ref, ii_ref, x_ref, w_ref, b_ref, wd_ref, bd_ref,
               o_ref):
    tt = tp_ref[0, :, :N] + tp_ref[1, :, :N]
    dv = dv_ref[...]
    gi = lax.broadcasted_iota(jnp.int32, (G, N), 0)
    mask = ii_ref[...] == gi
    a = dv * tt + jnp.where(mask, dv * dv, 0.0)
    cnt = jnp.sum(mask.astype(jnp.float32), axis=1, keepdims=True)
    h = jnp.dot(x_ref[...], w_ref[...], preferred_element_type=jnp.float32)
    conv = (jnp.dot(a, h, preferred_element_type=jnp.float32,
                    precision=lax.Precision.HIGHEST)
            + cnt * b_ref[...])
    logits = (jnp.dot(conv, wd_ref[...], preferred_element_type=jnp.float32)
              + bd_ref[...])
    m = jnp.max(logits, axis=1, keepdims=True)
    e = jnp.exp(logits - m)
    o_ref[...] = e / jnp.sum(e, axis=1, keepdims=True)


def kernel(x, edge_index, i, W, b, Wd, bd):
    src = edge_index[0].astype(jnp.int32)
    dst = edge_index[1].astype(jnp.int32)
    ii = i.astype(jnp.int32)
    npad = EP - E
    src1d = jnp.concatenate([src, jnp.zeros((npad,), jnp.int32)])
    dst1d = jnp.concatenate([dst, jnp.full((npad,), N, jnp.int32)])

    degp = _deg_kernel(dst1d)
    dinv, pk = pl.pallas_call(
        _dinv_body,
        out_shape=(jax.ShapeDtypeStruct((1, N), jnp.float32),
                   jax.ShapeDtypeStruct((1, NP), jnp.int32)),
    )(degp.reshape(NC * NS, NR), ii.reshape(1, N))
    tp = _t_kernel(src1d, dst1d, pk.reshape(NP))
    out = pl.pallas_call(
        _head_body,
        out_shape=jax.ShapeDtypeStruct((G, 10), jnp.float32),
    )(tp.reshape(NC, G, NR), dinv, ii.reshape(1, N),
      x, W, b.reshape(1, D), Wd, bd.reshape(1, 10))
    return out

# --- scband reference (transcript-rebuilt; emitter-appended) ---
"""Pipeline reference for scband-my-gnn-16174846837034 (READ-ONLY COPY).

The authoritative reference and input builder live on the scoring server;
editing this copy changes nothing except your own understanding.
"""

import jax, jax.numpy as jnp
import numpy as np

N_NODES = 10000
N_EDGES = 320000
D_FEAT = 128
N_HIDDEN = 128
N_LABELS = 10
N_GRAPHS = 16


def setup_inputs(seed: int = 0) -> dict:
    key = jax.random.key(seed)
    k1, k2, k3, k4, k5, k6, k7 = jax.random.split(key, 7)
    x = jax.random.normal(k1, (N_NODES, D_FEAT), dtype=jnp.float32)
    edge_index = jax.random.randint(k2, (2, N_EDGES), 0, N_NODES, dtype=jnp.int64)
    i = jnp.sort(jax.random.randint(k3, (N_NODES,), 0, N_GRAPHS, dtype=jnp.int64))
    # learned params: GCNConv kernel/bias, Dense kernel/bias
    W = jax.random.normal(k4, (D_FEAT, N_HIDDEN), dtype=jnp.float32) * (1.0 / np.sqrt(D_FEAT))
    b = jnp.zeros((N_HIDDEN,), dtype=jnp.float32)
    Wd = jax.random.normal(k5, (N_HIDDEN, N_LABELS), dtype=jnp.float32) * (1.0 / np.sqrt(N_HIDDEN))
    bd = jnp.zeros((N_LABELS,), dtype=jnp.float32)
    return {"x": x, "edge_index": edge_index, "i": i, "W": W, "b": b, "Wd": Wd, "bd": bd}


def reference(x, edge_index, i, W, b, Wd, bd):
    N = x.shape[0]
    # --- GCNConv: symmetric-normalized propagation D^-1/2 (A + I) D^-1/2 X W + b ---
    loop = jnp.arange(N, dtype=edge_index.dtype)
    src = jnp.concatenate([edge_index[0], loop])
    dst = jnp.concatenate([edge_index[1], loop])
    deg = jnp.zeros((N,), dtype=jnp.float32).at[dst].add(1.0)
    dinv = jax.lax.rsqrt(jnp.maximum(deg, 1.0))
    h = x @ W  # [N, n_hidden]
    coef = (dinv[src] * dinv[dst])[:, None]
    msg = jnp.take(h, src, axis=0) * coef
    agg = jnp.zeros((N, h.shape[1]), dtype=h.dtype).at[dst].add(msg)
    conv = agg + b  # GCNConv default activation=None
    # --- GlobalSumPool over graph segment ids i ---
    pooled = jax.ops.segment_sum(conv, i, num_segments=N_GRAPHS)  # [n_graphs, n_hidden]
    # --- Dropout: identity at inference ---
    # --- Dense softmax head ---
    logits = pooled @ Wd + bd
    out = jax.nn.softmax(logits, axis=-1)
    return out

if __name__ == "__main__":
    import jax
    _d = setup_inputs()
    print(jax.jit(kernel)(*tuple(_d.values())))

</pallas_src>

<mosaic_0001>
#map = affine_map<(d0, d1) -> (0)>
#map1 = affine_map<(d0, d1) -> (0, 0, 0)>
module attributes {stable_mosaic.version = 14 : i64} {
  func.func @_t_kernel(%arg0: i32, %arg1: i32, %arg2: memref<327680xi32, #tpu.memory_space<hbm>>, %arg3: memref<327680xi32, #tpu.memory_space<hbm>>, %arg4: memref<10016xi32, #tpu.memory_space<hbm>>, %arg5: memref<2x16x10112xf32, #tpu.memory_space<hbm>>, %arg6: memref<10240xi32, #tpu.memory_space<vmem>>, %arg7: memref<10240xi32, #tpu.memory_space<vmem>>, %arg8: memref<10240xi32, #tpu.memory_space<vmem>>, %arg9: memref<10240xf32, #tpu.memory_space<vmem>>, %arg10: memref<10240xi32, #tpu.memory_space<vmem>>, %arg11: memref<10112xf32, #tpu.memory_space<vmem>>, %arg12: memref<161792xf32, #tpu.memory_space<vmem_shared>>, %arg13: memref<10016xi32, #tpu.memory_space<vmem_shared>>, %arg14: memref<10016xi32, #tpu.memory_space<vmem>>, %arg15: memref<!tpu.dma_semaphore, #tpu.memory_space<semaphore_mem>>, %arg16: memref<!tpu.dma_semaphore, #tpu.memory_space<semaphore_mem>>) attributes {dimension_semantics = [#tpu.dimension_semantics<core_parallel>, #tpu.dimension_semantics<subcore_parallel>], iteration_bounds = array<i64: 2, 16>, scalar_prefetch = 0 : i64, scratch_operands = 11 : i64, tpu.core_type = #tpu.core_type<sc_vector_subcore>, window_params = [{transform_indices = #map}, {transform_indices = #map}, {transform_indices = #map}, {transform_indices = #map1}]} {
    %mul3A = arith.constant 16 : i32
    %mul3A_0 = arith.muli %arg0, %mul3A : i32
    %add3A = arith.addi %mul3A_0, %arg1 : i32
    %eq3A = arith.constant 0 : i32
    %eq3A_1 = arith.cmpi eq, %arg1, %eq3A : i32
    %convert_element_type3A = arith.extui %eq3A_1 : i1 to i32
    %cond3A = arith.constant 0 : i32
    %cond3A_2 = arith.cmpi ne, %convert_element_type3A, %cond3A : i32
    scf.if %cond3A_2 {
      "tpu.region"() ({
        %run_scoped3A = tpu.sem_alloc : memref<!tpu.dma_semaphore, #tpu.memory_space<semaphore_mem>>
        tpu.enqueue_dma source(%arg4 : memref<10016xi32, #tpu.memory_space<hbm>>) target(%arg14 : memref<10016xi32, #tpu.memory_space<vmem>>) target_semaphore(%run_scoped3A : memref<!tpu.dma_semaphore, #tpu.memory_space<semaphore_mem>>)
        tpu.wait_dma2 semaphore(%run_scoped3A : memref<!tpu.dma_semaphore, #tpu.memory_space<semaphore_mem>>) src(%arg4 : memref<10016xi32, #tpu.memory_space<hbm>>) dst(%arg14 : memref<10016xi32, #tpu.memory_space<vmem>>)
        tpu.yield
      }) : () -> ()
      "tpu.region"() ({
        %run_scoped3A = tpu.sem_alloc : memref<!tpu.dma_semaphore, #tpu.memory_space<semaphore_mem>>
        tpu.enqueue_dma source(%arg14 : memref<10016xi32, #tpu.memory_space<vmem>>) target(%arg13 : memref<10016xi32, #tpu.memory_space<vmem_shared>>) target_semaphore(%run_scoped3A : memref<!tpu.dma_semaphore, #tpu.memory_space<semaphore_mem>>)
        tpu.wait_dma2 semaphore(%run_scoped3A : memref<!tpu.dma_semaphore, #tpu.memory_space<semaphore_mem>>) src(%arg14 : memref<10016xi32, #tpu.memory_space<vmem>>) dst(%arg13 : memref<10016xi32, #tpu.memory_space<vmem_shared>>)
        tpu.yield
      }) : () -> ()
    } else {
    }
    %broadcast_in_dim3A = arith.constant 0.000000e+00 : f32
    %broadcast_in_dim3A_3 = vector.broadcast %broadcast_in_dim3A : f32 to vector<16xf32>
    %scan3A = arith.constant 0 : i32
    %scan3A_4 = arith.constant 0 : i32
    %scan3A_5 = arith.constant 158 : i32
    %scan3A_6 = arith.addi %scan3A_4, %scan3A_5 : i32
    %scan3A_7 = arith.constant 1 : i32
    scf.for %scan3A_35 = %scan3A_4 to %scan3A_6 step %scan3A_7  : i32 {
      %mul3A_36 = arith.constant 64 : i32
      %mul3A_37 = arith.muli %scan3A_35, %mul3A_36 : i32
      %add3A_38 = arith.constant 0 : i32
      %add3A_39 = arith.addi %mul3A_37, %add3A_38 : i32
      %swap3A = arith.index_cast %add3A_39 : i32 to index
      %swap3A_40 = tpu.vector_load %arg11[%swap3A] {strides = array<i32>} : memref<10112xf32, #tpu.memory_space<vmem>>, vector<16xf32>,
      tpu.vector_store %arg11[%swap3A], %broadcast_in_dim3A_3 {strides = array<i32>} : memref<10112xf32, #tpu.memory_space<vmem>>, vector<16xf32>,
      %mul3A_41 = arith.constant 64 : i32
      %mul3A_42 = arith.muli %scan3A_35, %mul3A_41 : i32
      %add3A_43 = arith.constant 16 : i32
      %add3A_44 = arith.addi %mul3A_42, %add3A_43 : i32
      %swap3A_45 = arith.index_cast %add3A_44 : i32 to index
      %swap3A_46 = tpu.vector_load %arg11[%swap3A_45] {strides = array<i32>} : memref<10112xf32, #tpu.memory_space<vmem>>, vector<16xf32>,
      tpu.vector_store %arg11[%swap3A_45], %broadcast_in_dim3A_3 {strides = array<i32>} : memref<10112xf32, #tpu.memory_space<vmem>>, vector<16xf32>,
      %mul3A_47 = arith.constant 64 : i32
      %mul3A_48 = arith.muli %scan3A_35, %mul3A_47 : i32
      %add3A_49 = arith.constant 32 : i32
      %add3A_50 = arith.addi %mul3A_48, %add3A_49 : i32
      %swap3A_51 = arith.index_cast %add3A_50 : i32 to index
      %swap3A_52 = tpu.vector_load %arg11[%swap3A_51] {strides = array<i32>} : memref<10112xf32, #tpu.memory_space<vmem>>, vector<16xf32>,
      tpu.vector_store %arg11[%swap3A_51], %broadcast_in_dim3A_3 {strides = array<i32>} : memref<10112xf32, #tpu.memory_space<vmem>>, vector<16xf32>,
      %mul3A_53 = arith.constant 64 : i32
      %mul3A_54 = arith.muli %scan3A_35, %mul3A_53 : i32
      %add3A_55 = arith.constant 48 : i32
      %add3A_56 = arith.addi %mul3A_54, %add3A_55 : i32
      %swap3A_57 = arith.index_cast %add3A_56 : i32 to index
      %swap3A_58 = tpu.vector_load %arg11[%swap3A_57] {strides = array<i32>} : memref<10112xf32, #tpu.memory_space<vmem>>, vector<16xf32>,
      tpu.vector_store %arg11[%swap3A_57], %broadcast_in_dim3A_3 {strides = array<i32>} : memref<10112xf32, #tpu.memory_space<vmem>>, vector<16xf32>,
    }
    %scan3A_8 = arith.constant 158 : i32
    %mul3A_9 = arith.constant 10112 : i32
    %mul3A_10 = arith.muli %arg1, %mul3A_9 : i32
    "tpu.region"() ({
      %run_scoped3A = tpu.sem_alloc : memref<!tpu.dma_semaphore, #tpu.memory_space<semaphore_mem>>
      %dma_start3A_35 = tpu.memref_slice %arg12[%mul3A_10] : memref<161792xf32, #tpu.memory_space<vmem_shared>> -> memref<10112xf32, #tpu.memory_space<vmem_shared>>
      %dma_start3A_36 = tpu.memref_slice %arg12[%mul3A_10] : memref<161792xf32, #tpu.memory_space<vmem_shared>> -> memref<10112xf32, #tpu.memory_space<vmem_shared>>
      tpu.enqueue_dma source(%arg11 : memref<10112xf32, #tpu.memory_space<vmem>>) target(%dma_start3A_36 : memref<10112xf32, #tpu.memory_space<vmem_shared>>) target_semaphore(%run_scoped3A : memref<!tpu.dma_semaphore, #tpu.memory_space<semaphore_mem>>)
      %dma_wait3A_37 = tpu.memref_slice %arg12[%mul3A_10] : memref<161792xf32, #tpu.memory_space<vmem_shared>> -> memref<10112xf32, #tpu.memory_space<vmem_shared>>
      %dma_wait3A_38 = tpu.memref_slice %arg12[%mul3A_10] : memref<161792xf32, #tpu.memory_space<vmem_shared>> -> memref<10112xf32, #tpu.memory_space<vmem_shared>>
      tpu.wait_dma2 semaphore(%run_scoped3A : memref<!tpu.dma_semaphore, #tpu.memory_space<semaphore_mem>>) src(%arg11 : memref<10112xf32, #tpu.memory_space<vmem>>) dst(%dma_wait3A_38 : memref<10112xf32, #tpu.memory_space<vmem_shared>>)
      tpu.yield
    }) : () -> ()
    %mul3A_11 = arith.constant 80 : i32
    %mul3A_12 = arith.muli %add3A, %mul3A_11 : i32
    %mul3A_13 = arith.constant 128 : i32
    %mul3A_14 = arith.muli %mul3A_12, %mul3A_13 : i32
    "tpu.region"() ({
      %run_scoped3A = tpu.sem_alloc : memref<!tpu.dma_semaphore, #tpu.memory_space<semaphore_mem>>
      %dma_start3A_35 = tpu.memref_slice %arg2[%mul3A_14] : memref<327680xi32, #tpu.memory_space<hbm>> -> memref<10240xi32, #tpu.memory_space<hbm>>
      %dma_start3A_36 = tpu.memref_slice %arg2[%mul3A_14] : memref<327680xi32, #tpu.memory_space<hbm>> -> memref<10240xi32, #tpu.memory_space<hbm>>
      tpu.enqueue_dma source(%dma_start3A_36 : memref<10240xi32, #tpu.memory_space<hbm>>) target(%arg6 : memref<10240xi32, #tpu.memory_space<vmem>>) target_semaphore(%run_scoped3A : memref<!tpu.dma_semaphore, #tpu.memory_space<semaphore_mem>>)
      %dma_wait3A_37 = tpu.memref_slice %arg2[%mul3A_14] : memref<327680xi32, #tpu.memory_space<hbm>> -> memref<10240xi32, #tpu.memory_space<hbm>>
      %dma_wait3A_38 = tpu.memref_slice %arg2[%mul3A_14] : memref<327680xi32, #tpu.memory_space<hbm>> -> memref<10240xi32, #tpu.memory_space<hbm>>
      tpu.wait_dma2 semaphore(%run_scoped3A : memref<!tpu.dma_semaphore, #tpu.memory_space<semaphore_mem>>) src(%dma_wait3A_38 : memref<10240xi32, #tpu.memory_space<hbm>>) dst(%arg6 : memref<10240xi32, #tpu.memory_space<vmem>>)
      tpu.yield
    }) : () -> ()
    %mul3A_15 = arith.constant 80 : i32
    %mul3A_16 = arith.muli %add3A, %mul3A_15 : i32
    %mul3A_17 = arith.constant 128 : i32
    %mul3A_18 = arith.muli %mul3A_16, %mul3A_17 : i32
    "tpu.region"() ({
      %run_scoped3A = tpu.sem_alloc : memref<!tpu.dma_semaphore, #tpu.memory_space<semaphore_mem>>
      %dma_start3A_35 = tpu.memref_slice %arg3[%mul3A_18] : memref<327680xi32, #tpu.memory_space<hbm>> -> memref<10240xi32, #tpu.memory_space<hbm>>
      %dma_start3A_36 = tpu.memref_slice %arg3[%mul3A_18] : memref<327680xi32, #tpu.memory_space<hbm>> -> memref<10240xi32, #tpu.memory_space<hbm>>
      tpu.enqueue_dma source(%dma_start3A_36 : memref<10240xi32, #tpu.memory_space<hbm>>) target(%arg7 : memref<10240xi32, #tpu.memory_space<vmem>>) target_semaphore(%run_scoped3A : memref<!tpu.dma_semaphore, #tpu.memory_space<semaphore_mem>>)
      %dma_wait3A_37 = tpu.memref_slice %arg3[%mul3A_18] : memref<327680xi32, #tpu.memory_space<hbm>> -> memref<10240xi32, #tpu.memory_space<hbm>>
      %dma_wait3A_38 = tpu.memref_slice %arg3[%mul3A_18] : memref<327680xi32, #tpu.memory_space<hbm>> -> memref<10240xi32, #tpu.memory_space<hbm>>
      tpu.wait_dma2 semaphore(%run_scoped3A : memref<!tpu.dma_semaphore, #tpu.memory_space<semaphore_mem>>) src(%dma_wait3A_38 : memref<10240xi32, #tpu.memory_space<hbm>>) dst(%arg7 : memref<10240xi32, #tpu.memory_space<vmem>>)
      tpu.yield
    }) : () -> ()
    %barrier3A = arith.constant 0 : index
    tpu.barrier barrier_id(%barrier3A)
    %dma_start3A = arith.constant 0 : i32
    %dma_start3A_19 = tpu.memref_slice %arg13[%dma_start3A] : memref<10016xi32, #tpu.memory_space<vmem_shared>> -> memref<10016xi32, #tpu.memory_space<vmem_shared>>
    tpu.enqueue_indirect_dma source(%dma_start3A_19 : memref<10016xi32, #tpu.memory_space<vmem_shared>>) target(%arg8 : memref<10240xi32, #tpu.memory_space<vmem>>) offsets(%arg7 : memref<10240xi32, #tpu.memory_space<vmem>>) semaphore(%arg15 : memref<!tpu.dma_semaphore, #tpu.memory_space<semaphore_mem>>)
    %dma_wait3A = arith.constant 0 : i32
    %dma_wait3A_20 = tpu.memref_slice %arg13[%dma_wait3A] : memref<10016xi32, #tpu.memory_space<vmem_shared>> -> memref<10016xi32, #tpu.memory_space<vmem_shared>>
    tpu.wait_indirect_dma semaphore(%arg15 : memref<!tpu.dma_semaphore, #tpu.memory_space<semaphore_mem>>) src(%dma_wait3A_20 : memref<10016xi32, #tpu.memory_space<vmem_shared>>) dst(%arg8 : memref<10240xi32, #tpu.memory_space<vmem>>)
    %scan3A_21 = arith.constant 0 : i32
    %scan3A_22 = arith.constant 0 : i32
    %scan3A_23 = arith.constant 160 : i32
    %scan3A_24 = arith.addi %scan3A_22, %scan3A_23 : i32
    %scan3A_25 = arith.constant 1 : i32
    scf.for %scan3A_35 = %scan3A_22 to %scan3A_24 step %scan3A_25  : i32 {
      %mul3A_36 = arith.constant 64 : i32
      %mul3A_37 = arith.muli %scan3A_35, %mul3A_36 : i32
      %add3A_38 = arith.constant 0 : i32
      %add3A_39 = arith.addi %mul3A_37, %add3A_38 : i32
      %get3A = arith.index_cast %add3A_39 : i32 to index
      %get3A_40 = tpu.vector_load %arg8[%get3A] {strides = array<i32>} : memref<10240xi32, #tpu.memory_space<vmem>>, vector<16xi32>,
      %shift_right_logical3A = arith.constant 28 : i32
      %shift_right_logical3A_41 = vector.broadcast %shift_right_logical3A : i32 to vector<16xi32>
      %shift_right_logical3A_42 = arith.shrui %get3A_40, %shift_right_logical3A_41 : vector<16xi32>
      %and3A = arith.constant 268435455 : i32
      %and3A_43 = vector.broadcast %and3A : i32 to vector<16xi32>
      %and3A_44 = arith.andi %get3A_40, %and3A_43 : vector<16xi32>
      %shift_left3A = arith.constant 2 : i32
      %shift_left3A_45 = vector.broadcast %shift_left3A : i32 to vector<16xi32>
      %shift_left3A_46 = arith.shli %and3A_44, %shift_left3A_45 : vector<16xi32>
      %bitcast3A = vector.bitcast %shift_left3A_46 : vector<16xi32> to vector<16xf32>
      %swap3A = arith.index_cast %add3A_39 : i32 to index
      %swap3A_47 = tpu.vector_load %arg9[%swap3A] {strides = array<i32>} : memref<10240xf32, #tpu.memory_space<vmem>>, vector<16xf32>,
      tpu.vector_store %arg9[%swap3A], %bitcast3A {strides = array<i32>} : memref<10240xf32, #tpu.memory_space<vmem>>, vector<16xf32>,
      %mul3A_48 = arith.constant 10112 : i32
      %mul3A_49 = vector.broadcast %mul3A_48 : i32 to vector<16xi32>
      %mul3A_50 = arith.muli %shift_right_logical3A_42, %mul3A_49 : vector<16xi32>
      %get3A_51 = arith.index_cast %add3A_39 : i32 to index
      %get3A_52 = tpu.vector_load %arg6[%get3A_51] {strides = array<i32>} : memref<10240xi32, #tpu.memory_space<vmem>>, vector<16xi32>,
      %add3A_53 = arith.addi %mul3A_50, %get3A_52 : vector<16xi32>
      %swap3A_54 = arith.index_cast %add3A_39 : i32 to index
      %swap3A_55 = tpu.vector_load %arg10[%swap3A_54] {strides = array<i32>} : memref<10240xi32, #tpu.memory_space<vmem>>, vector<16xi32>,
      tpu.vector_store %arg10[%swap3A_54], %add3A_53 {strides = array<i32>} : memref<10240xi32, #tpu.memory_space<vmem>>, vector<16xi32>,
      %mul3A_56 = arith.constant 64 : i32
      %mul3A_57 = arith.muli %scan3A_35, %mul3A_56 : i32
      %add3A_58 = arith.constant 16 : i32
      %add3A_59 = arith.addi %mul3A_57, %add3A_58 : i32
      %get3A_60 = arith.index_cast %add3A_59 : i32 to index
      %get3A_61 = tpu.vector_load %arg8[%get3A_60] {strides = array<i32>} : memref<10240xi32, #tpu.memory_space<vmem>>, vector<16xi32>,
      %shift_right_logical3A_62 = arith.constant 28 : i32
      %shift_right_logical3A_63 = vector.broadcast %shift_right_logical3A_62 : i32 to vector<16xi32>
      %shift_right_logical3A_64 = arith.shrui %get3A_61, %shift_right_logical3A_63 : vector<16xi32>
      %and3A_65 = arith.constant 268435455 : i32
      %and3A_66 = vector.broadcast %and3A_65 : i32 to vector<16xi32>
      %and3A_67 = arith.andi %get3A_61, %and3A_66 : vector<16xi32>
      %shift_left3A_68 = arith.constant 2 : i32
      %shift_left3A_69 = vector.broadcast %shift_left3A_68 : i32 to vector<16xi32>
      %shift_left3A_70 = arith.shli %and3A_67, %shift_left3A_69 : vector<16xi32>
      %bitcast3A_71 = vector.bitcast %shift_left3A_70 : vector<16xi32> to vector<16xf32>
      %swap3A_72 = arith.index_cast %add3A_59 : i32 to index
      %swap3A_73 = tpu.vector_load %arg9[%swap3A_72] {strides = array<i32>} : memref<10240xf32, #tpu.memory_space<vmem>>, vector<16xf32>,
      tpu.vector_store %arg9[%swap3A_72], %bitcast3A_71 {strides = array<i32>} : memref<10240xf32, #tpu.memory_space<vmem>>, vector<16xf32>,
      %mul3A_74 = arith.constant 10112 : i32
      %mul3A_75 = vector.broadcast %mul3A_74 : i32 to vector<16xi32>
      %mul3A_76 = arith.muli %shift_right_logical3A_64, %mul3A_75 : vector<16xi32>
      %get3A_77 = arith.index_cast %add3A_59 : i32 to index
      %get3A_78 = tpu.vector_load %arg6[%get3A_77] {strides = array<i32>} : memref<10240xi32, #tpu.memory_space<vmem>>, vector<16xi32>,
      %add3A_79 = arith.addi %mul3A_76, %get3A_78 : vector<16xi32>
      %swap3A_80 = arith.index_cast %add3A_59 : i32 to index
      %swap3A_81 = tpu.vector_load %arg10[%swap3A_80] {strides = array<i32>} : memref<10240xi32, #tpu.memory_space<vmem>>, vector<16xi32>,
      tpu.vector_store %arg10[%swap3A_80], %add3A_79 {strides = array<i32>} : memref<10240xi32, #tpu.memory_space<vmem>>, vector<16xi32>,
      %mul3A_82 = arith.constant 64 : i32
      %mul3A_83 = arith.muli %scan3A_35, %mul3A_82 : i32
      %add3A_84 = arith.constant 32 : i32
      %add3A_85 = arith.addi %mul3A_83, %add3A_84 : i32
      %get3A_86 = arith.index_cast %add3A_85 : i32 to index
      %get3A_87 = tpu.vector_load %arg8[%get3A_86] {strides = array<i32>} : memref<10240xi32, #tpu.memory_space<vmem>>, vector<16xi32>,
      %shift_right_logical3A_88 = arith.constant 28 : i32
      %shift_right_logical3A_89 = vector.broadcast %shift_right_logical3A_88 : i32 to vector<16xi32>
      %shift_right_logical3A_90 = arith.shrui %get3A_87, %shift_right_logical3A_89 : vector<16xi32>
      %and3A_91 = arith.constant 268435455 : i32
      %and3A_92 = vector.broadcast %and3A_91 : i32 to vector<16xi32>
      %and3A_93 = arith.andi %get3A_87, %and3A_92 : vector<16xi32>
      %shift_left3A_94 = arith.constant 2 : i32
      %shift_left3A_95 = vector.broadcast %shift_left3A_94 : i32 to vector<16xi32>
      %shift_left3A_96 = arith.shli %and3A_93, %shift_left3A_95 : vector<16xi32>
      %bitcast3A_97 = vector.bitcast %shift_left3A_96 : vector<16xi32> to vector<16xf32>
      %swap3A_98 = arith.index_cast %add3A_85 : i32 to index
      %swap3A_99 = tpu.vector_load %arg9[%swap3A_98] {strides = array<i32>} : memref<10240xf32, #tpu.memory_space<vmem>>, vector<16xf32>,
      tpu.vector_store %arg9[%swap3A_98], %bitcast3A_97 {strides = array<i32>} : memref<10240xf32, #tpu.memory_space<vmem>>, vector<16xf32>,
      %mul3A_100 = arith.constant 10112 : i32
      %mul3A_101 = vector.broadcast %mul3A_100 : i32 to vector<16xi32>
      %mul3A_102 = arith.muli %shift_right_logical3A_90, %mul3A_101 : vector<16xi32>
      %get3A_103 = arith.index_cast %add3A_85 : i32 to index
      %get3A_104 = tpu.vector_load %arg6[%get3A_103] {strides = array<i32>} : memref<10240xi32, #tpu.memory_space<vmem>>, vector<16xi32>,
      %add3A_105 = arith.addi %mul3A_102, %get3A_104 : vector<16xi32>
      %swap3A_106 = arith.index_cast %add3A_85 : i32 to index
      %swap3A_107 = tpu.vector_load %arg10[%swap3A_106] {strides = array<i32>} : memref<10240xi32, #tpu.memory_space<vmem>>, vector<16xi32>,
      tpu.vector_store %arg10[%swap3A_106], %add3A_105 {strides = array<i32>} : memref<10240xi32, #tpu.memory_space<vmem>>, vector<16xi32>,
      %mul3A_108 = arith.constant 64 : i32
      %mul3A_109 = arith.muli %scan3A_35, %mul3A_108 : i32
      %add3A_110 = arith.constant 48 : i32
      %add3A_111 = arith.addi %mul3A_109, %add3A_110 : i32
      %get3A_112 = arith.index_cast %add3A_111 : i32 to index
      %get3A_113 = tpu.vector_load %arg8[%get3A_112] {strides = array<i32>} : memref<10240xi32, #tpu.memory_space<vmem>>, vector<16xi32>,
      %shift_right_logical3A_114 = arith.constant 28 : i32
      %shift_right_logical3A_115 = vector.broadcast %shift_right_logical3A_114 : i32 to vector<16xi32>
      %shift_right_logical3A_116 = arith.shrui %get3A_113, %shift_right_logical3A_115 : vector<16xi32>
      %and3A_117 = arith.constant 268435455 : i32
      %and3A_118 = vector.broadcast %and3A_117 : i32 to vector<16xi32>
      %and3A_119 = arith.andi %get3A_113, %and3A_118 : vector<16xi32>
      %shift_left3A_120 = arith.constant 2 : i32
      %shift_left3A_121 = vector.broadcast %shift_left3A_120 : i32 to vector<16xi32>
      %shift_left3A_122 = arith.shli %and3A_119, %shift_left3A_121 : vector<16xi32>
      %bitcast3A_123 = vector.bitcast %shift_left3A_122 : vector<16xi32> to vector<16xf32>
      %swap3A_124 = arith.index_cast %add3A_111 : i32 to index
      %swap3A_125 = tpu.vector_load %arg9[%swap3A_124] {strides = array<i32>} : memref<10240xf32, #tpu.memory_space<vmem>>, vector<16xf32>,
      tpu.vector_store %arg9[%swap3A_124], %bitcast3A_123 {strides = array<i32>} : memref<10240xf32, #tpu.memory_space<vmem>>, vector<16xf32>,
      %mul3A_126 = arith.constant 10112 : i32
      %mul3A_127 = vector.broadcast %mul3A_126 : i32 to vector<16xi32>
      %mul3A_128 = arith.muli %shift_right_logical3A_116, %mul3A_127 : vector<16xi32>
      %get3A_129 = arith.index_cast %add3A_111 : i32 to index
      %get3A_130 = tpu.vector_load %arg6[%get3A_129] {strides = array<i32>} : memref<10240xi32, #tpu.memory_space<vmem>>, vector<16xi32>,
      %add3A_131 = arith.addi %mul3A_128, %get3A_130 : vector<16xi32>
      %swap3A_132 = arith.index_cast %add3A_111 : i32 to index
      %swap3A_133 = tpu.vector_load %arg10[%swap3A_132] {strides = array<i32>} : memref<10240xi32, #tpu.memory_space<vmem>>, vector<16xi32>,
      tpu.vector_store %arg10[%swap3A_132], %add3A_131 {strides = array<i32>} : memref<10240xi32, #tpu.memory_space<vmem>>, vector<16xi32>,
    }
    %scan3A_26 = arith.constant 160 : i32
    %barrier3A_27 = arith.constant 0 : index
    tpu.barrier barrier_id(%barrier3A_27)
    %dma_start3A_28 = arith.constant 0 : i32
    %dma_start3A_29 = tpu.memref_slice %arg12[%dma_start3A_28] : memref<161792xf32, #tpu.memory_space<vmem_shared>> -> memref<161792xf32, #tpu.memory_space<vmem_shared>>
    tpu.enqueue_indirect_dma source(%arg9 : memref<10240xf32, #tpu.memory_space<vmem>>) target(%dma_start3A_29 : memref<161792xf32, #tpu.memory_space<vmem_shared>>) offsets(%arg10 : memref<10240xi32, #tpu.memory_space<vmem>>) semaphore(%arg16 : memref<!tpu.dma_semaphore, #tpu.memory_space<semaphore_mem>>) {add = true}
    %dma_wait3A_30 = arith.constant 0 : i32
    %dma_wait3A_31 = tpu.memref_slice %arg12[%dma_wait3A_30] : memref<161792xf32, #tpu.memory_space<vmem_shared>> -> memref<161792xf32, #tpu.memory_space<vmem_shared>>
    tpu.wait_indirect_dma semaphore(%arg16 : memref<!tpu.dma_semaphore, #tpu.memory_space<semaphore_mem>>) src(%arg9 : memref<10240xf32, #tpu.memory_space<vmem>>) dst(%dma_wait3A_31 : memref<161792xf32, #tpu.memory_space<vmem_shared>>)
    %barrier3A_32 = arith.constant 0 : index
    tpu.barrier barrier_id(%barrier3A_32)
    %mul3A_33 = arith.constant 10112 : i32
    %mul3A_34 = arith.muli %arg1, %mul3A_33 : i32
    "tpu.region"() ({
      %run_scoped3A = tpu.sem_alloc : memref<!tpu.dma_semaphore, #tpu.memory_space<semaphore_mem>>
      %dma_start3A_35 = arith.constant 0 : i32
      %dma_start3A_36 = tpu.memref_slice %arg5[%arg0, %arg1, %dma_start3A_35] : memref<2x16x10112xf32, #tpu.memory_space<hbm>> -> memref<1x1x10112xf32, #tpu.memory_space<hbm>>
      %dma_start3A_37 = tpu.memref_squeeze %dma_start3A_36 : memref<1x1x10112xf32, #tpu.memory_space<hbm>> -> memref<10112xf32, #tpu.memory_space<hbm>>
      %dma_start3A_38 = tpu.memref_slice %arg12[%mul3A_34] : memref<161792xf32, #tpu.memory_space<vmem_shared>> -> memref<10112xf32, #tpu.memory_space<vmem_shared>>
      tpu.enqueue_dma source(%dma_start3A_38 : memref<10112xf32, #tpu.memory_space<vmem_shared>>) target(%dma_start3A_37 : memref<10112xf32, #tpu.memory_space<hbm>>) target_semaphore(%run_scoped3A : memref<!tpu.dma_semaphore, #tpu.memory_space<semaphore_mem>>)
      %dma_wait3A_39 = arith.constant 0 : i32
      %dma_wait3A_40 = tpu.memref_slice %arg5[%arg0, %arg1, %dma_wait3A_39] : memref<2x16x10112xf32, #tpu.memory_space<hbm>> -> memref<1x1x10112xf32, #tpu.memory_space<hbm>>
      %dma_wait3A_41 = tpu.memref_squeeze %dma_wait3A_40 : memref<1x1x10112xf32, #tpu.memory_space<hbm>> -> memref<10112xf32, #tpu.memory_space<hbm>>
      %dma_wait3A_42 = tpu.memref_slice %arg12[%mul3A_34] : memref<161792xf32, #tpu.memory_space<vmem_shared>> -> memref<10112xf32, #tpu.memory_space<vmem_shared>>
      tpu.wait_dma2 semaphore(%run_scoped3A : memref<!tpu.dma_semaphore, #tpu.memory_space<semaphore_mem>>) src(%dma_wait3A_42 : memref<10112xf32, #tpu.memory_space<vmem_shared>>) dst(%dma_wait3A_41 : memref<10112xf32, #tpu.memory_space<hbm>>)
      tpu.yield
    }) : () -> ()
    return
  }
}

#map = affine_map<(d0, d1) -> (0)>
#map1 = affine_map<(d0, d1) -> (0, 0, 0)>
module attributes {stable_mosaic.version = 14 : i64} {
  func.func @_deg_kernel(%arg0: i32, %arg1: i32, %arg2: memref<327680xi32, #tpu.memory_space<hbm>>, %arg3: memref<2x16x10112xf32, #tpu.memory_space<hbm>>, %arg4: memref<10240xi32, #tpu.memory_space<vmem>>, %arg5: memref<10112xf32, #tpu.memory_space<vmem>>) attributes {dimension_semantics = [#tpu.dimension_semantics<core_parallel>, #tpu.dimension_semantics<subcore_parallel>], iteration_bounds = array<i64: 2, 16>, scalar_prefetch = 0 : i64, scratch_operands = 2 : i64, tpu.core_type = #tpu.core_type<sc_vector_subcore>, window_params = [{transform_indices = #map}, {transform_indices = #map1}]} {
    %mul3A = arith.constant 16 : i32
    %mul3A_0 = arith.muli %arg0, %mul3A : i32
    %add3A = arith.addi %mul3A_0, %arg1 : i32
    %broadcast_in_dim3A = arith.constant 0.000000e+00 : f32
    %broadcast_in_dim3A_1 = vector.broadcast %broadcast_in_dim3A : f32 to vector<16xf32>
    %scan3A = arith.constant 0 : i32
    %scan3A_2 = arith.constant 0 : i32
    %scan3A_3 = arith.constant 158 : i32
    %scan3A_4 = arith.addi %scan3A_2, %scan3A_3 : i32
    %scan3A_5 = arith.constant 1 : i32
    scf.for %scan3A_19 = %scan3A_2 to %scan3A_4 step %scan3A_5  : i32 {
      %mul3A_20 = arith.constant 64 : i32
      %mul3A_21 = arith.muli %scan3A_19, %mul3A_20 : i32
      %add3A_22 = arith.constant 0 : i32
      %add3A_23 = arith.addi %mul3A_21, %add3A_22 : i32
      %swap3A = arith.index_cast %add3A_23 : i32 to index
      %swap3A_24 = tpu.vector_load %arg5[%swap3A] {strides = array<i32>} : memref<10112xf32, #tpu.memory_space<vmem>>, vector<16xf32>,
      tpu.vector_store %arg5[%swap3A], %broadcast_in_dim3A_1 {strides = array<i32>} : memref<10112xf32, #tpu.memory_space<vmem>>, vector<16xf32>,
      %mul3A_25 = arith.constant 64 : i32
      %mul3A_26 = arith.muli %scan3A_19, %mul3A_25 : i32
      %add3A_27 = arith.constant 16 : i32
      %add3A_28 = arith.addi %mul3A_26, %add3A_27 : i32
      %swap3A_29 = arith.index_cast %add3A_28 : i32 to index
      %swap3A_30 = tpu.vector_load %arg5[%swap3A_29] {strides = array<i32>} : memref<10112xf32, #tpu.memory_space<vmem>>, vector<16xf32>,
      tpu.vector_store %arg5[%swap3A_29], %broadcast_in_dim3A_1 {strides = array<i32>} : memref<10112xf32, #tpu.memory_space<vmem>>, vector<16xf32>,
      %mul3A_31 = arith.constant 64 : i32
      %mul3A_32 = arith.muli %scan3A_19, %mul3A_31 : i32
      %add3A_33 = arith.constant 32 : i32
      %add3A_34 = arith.addi %mul3A_32, %add3A_33 : i32
      %swap3A_35 = arith.index_cast %add3A_34 : i32 to index
      %swap3A_36 = tpu.vector_load %arg5[%swap3A_35] {strides = array<i32>} : memref<10112xf32, #tpu.memory_space<vmem>>, vector<16xf32>,
      tpu.vector_store %arg5[%swap3A_35], %broadcast_in_dim3A_1 {strides = array<i32>} : memref<10112xf32, #tpu.memory_space<vmem>>, vector<16xf32>,
      %mul3A_37 = arith.constant 64 : i32
      %mul3A_38 = arith.muli %scan3A_19, %mul3A_37 : i32
      %add3A_39 = arith.constant 48 : i32
      %add3A_40 = arith.addi %mul3A_38, %add3A_39 : i32
      %swap3A_41 = arith.index_cast %add3A_40 : i32 to index
      %swap3A_42 = tpu.vector_load %arg5[%swap3A_41] {strides = array<i32>} : memref<10112xf32, #tpu.memory_space<vmem>>, vector<16xf32>,
      tpu.vector_store %arg5[%swap3A_41], %broadcast_in_dim3A_1 {strides = array<i32>} : memref<10112xf32, #tpu.memory_space<vmem>>, vector<16xf32>,
    }
    %scan3A_6 = arith.constant 158 : i32
    %mul3A_7 = arith.constant 80 : i32
    %mul3A_8 = arith.muli %add3A, %mul3A_7 : i32
    %mul3A_9 = arith.constant 128 : i32
    %mul3A_10 = arith.muli %mul3A_8, %mul3A_9 : i32
    "tpu.region"() ({
      %run_scoped3A = tpu.sem_alloc : memref<!tpu.dma_semaphore, #tpu.memory_space<semaphore_mem>>
      %dma_start3A = tpu.memref_slice %arg2[%mul3A_10] : memref<327680xi32, #tpu.memory_space<hbm>> -> memref<10240xi32, #tpu.memory_space<hbm>>
      %dma_start3A_19 = tpu.memref_slice %arg2[%mul3A_10] : memref<327680xi32, #tpu.memory_space<hbm>> -> memref<10240xi32, #tpu.memory_space<hbm>>
      tpu.enqueue_dma source(%dma_start3A_19 : memref<10240xi32, #tpu.memory_space<hbm>>) target(%arg4 : memref<10240xi32, #tpu.memory_space<vmem>>) target_semaphore(%run_scoped3A : memref<!tpu.dma_semaphore, #tpu.memory_space<semaphore_mem>>)
      %dma_wait3A = tpu.memref_slice %arg2[%mul3A_10] : memref<327680xi32, #tpu.memory_space<hbm>> -> memref<10240xi32, #tpu.memory_space<hbm>>
      %dma_wait3A_20 = tpu.memref_slice %arg2[%mul3A_10] : memref<327680xi32, #tpu.memory_space<hbm>> -> memref<10240xi32, #tpu.memory_space<hbm>>
      tpu.wait_dma2 semaphore(%run_scoped3A : memref<!tpu.dma_semaphore, #tpu.memory_space<semaphore_mem>>) src(%dma_wait3A_20 : memref<10240xi32, #tpu.memory_space<hbm>>) dst(%arg4 : memref<10240xi32, #tpu.memory_space<vmem>>)
      tpu.yield
    }) : () -> ()
    %broadcast_in_dim3A_11 = arith.constant 1.000000e+00 : f32
    %broadcast_in_dim3A_12 = vector.broadcast %broadcast_in_dim3A_11 : f32 to vector<16xf32>
    %scan3A_13 = arith.constant 0 : i32
    %scan3A_14 = arith.constant 0 : i32
    %scan3A_15 = arith.constant 160 : i32
    %scan3A_16 = arith.addi %scan3A_14, %scan3A_15 : i32
    %scan3A_17 = arith.constant 1 : i32
    scf.for %scan3A_19 = %scan3A_14 to %scan3A_16 step %scan3A_17  : i32 {
      %mul3A_20 = arith.constant 64 : i32
      %mul3A_21 = arith.muli %scan3A_19, %mul3A_20 : i32
      %add3A_22 = arith.constant 0 : i32
      %add3A_23 = arith.addi %mul3A_21, %add3A_22 : i32
      %get3A = arith.index_cast %add3A_23 : i32 to index
      %get3A_24 = tpu.vector_load %arg4[%get3A] {strides = array<i32>} : memref<10240xi32, #tpu.memory_space<vmem>>, vector<16xi32>,
      tpu.vector_store_idx %arg5[%get3A_24], %broadcast_in_dim3A_12 {add = true} : memref<10112xf32, #tpu.memory_space<vmem>>[vector<16xi32>], vector<16xf32>,
      %mul3A_25 = arith.constant 64 : i32
      %mul3A_26 = arith.muli %scan3A_19, %mul3A_25 : i32
      %add3A_27 = arith.constant 16 : i32
      %add3A_28 = arith.addi %mul3A_26, %add3A_27 : i32
      %get3A_29 = arith.index_cast %add3A_28 : i32 to index
      %get3A_30 = tpu.vector_load %arg4[%get3A_29] {strides = array<i32>} : memref<10240xi32, #tpu.memory_space<vmem>>, vector<16xi32>,
      tpu.vector_store_idx %arg5[%get3A_30], %broadcast_in_dim3A_12 {add = true} : memref<10112xf32, #tpu.memory_space<vmem>>[vector<16xi32>], vector<16xf32>,
      %mul3A_31 = arith.constant 64 : i32
      %mul3A_32 = arith.muli %scan3A_19, %mul3A_31 : i32
      %add3A_33 = arith.constant 32 : i32
      %add3A_34 = arith.addi %mul3A_32, %add3A_33 : i32
      %get3A_35 = arith.index_cast %add3A_34 : i32 to index
      %get3A_36 = tpu.vector_load %arg4[%get3A_35] {strides = array<i32>} : memref<10240xi32, #tpu.memory_space<vmem>>, vector<16xi32>,
      tpu.vector_store_idx %arg5[%get3A_36], %broadcast_in_dim3A_12 {add = true} : memref<10112xf32, #tpu.memory_space<vmem>>[vector<16xi32>], vector<16xf32>,
      %mul3A_37 = arith.constant 64 : i32
      %mul3A_38 = arith.muli %scan3A_19, %mul3A_37 : i32
      %add3A_39 = arith.constant 48 : i32
      %add3A_40 = arith.addi %mul3A_38, %add3A_39 : i32
      %get3A_41 = arith.index_cast %add3A_40 : i32 to index
      %get3A_42 = tpu.vector_load %arg4[%get3A_41] {strides = array<i32>} : memref<10240xi32, #tpu.memory_space<vmem>>, vector<16xi32>,
      tpu.vector_store_idx %arg5[%get3A_42], %broadcast_in_dim3A_12 {add = true} : memref<10112xf32, #tpu.memory_space<vmem>>[vector<16xi32>], vector<16xf32>,
    }
    %scan3A_18 = arith.constant 160 : i32
    "tpu.region"() ({
      %run_scoped3A = tpu.sem_alloc : memref<!tpu.dma_semaphore, #tpu.memory_space<semaphore_mem>>
      %dma_start3A = arith.constant 0 : i32
      %dma_start3A_19 = tpu.memref_slice %arg3[%arg0, %arg1, %dma_start3A] : memref<2x16x10112xf32, #tpu.memory_space<hbm>> -> memref<1x1x10112xf32, #tpu.memory_space<hbm>>
      %dma_start3A_20 = tpu.memref_squeeze %dma_start3A_19 : memref<1x1x10112xf32, #tpu.memory_space<hbm>> -> memref<10112xf32, #tpu.memory_space<hbm>>
      %dma_start3A_21 = arith.constant 0 : i32
      %dma_start3A_22 = tpu.memref_slice %arg3[%arg0, %arg1, %dma_start3A_21] : memref<2x16x10112xf32, #tpu.memory_space<hbm>> -> memref<1x1x10112xf32, #tpu.memory_space<hbm>>
      %dma_start3A_23 = tpu.memref_squeeze %dma_start3A_22 : memref<1x1x10112xf32, #tpu.memory_space<hbm>> -> memref<10112xf32, #tpu.memory_space<hbm>>
      tpu.enqueue_dma source(%arg5 : memref<10112xf32, #tpu.memory_space<vmem>>) target(%dma_start3A_23 : memref<10112xf32, #tpu.memory_space<hbm>>) target_semaphore(%run_scoped3A : memref<!tpu.dma_semaphore, #tpu.memory_space<semaphore_mem>>)
      %dma_wait3A = arith.constant 0 : i32
      %dma_wait3A_24 = tpu.memref_slice %arg3[%arg0, %arg1, %dma_wait3A] : memref<2x16x10112xf32, #tpu.memory_space<hbm>> -> memref<1x1x10112xf32, #tpu.memory_space<hbm>>
      %dma_wait3A_25 = tpu.memref_squeeze %dma_wait3A_24 : memref<1x1x10112xf32, #tpu.memory_space<hbm>> -> memref<10112xf32, #tpu.memory_space<hbm>>
      %dma_wait3A_26 = arith.constant 0 : i32
      %dma_wait3A_27 = tpu.memref_slice %arg3[%arg0, %arg1, %dma_wait3A_26] : memref<2x16x10112xf32, #tpu.memory_space<hbm>> -> memref<1x1x10112xf32, #tpu.memory_space<hbm>>
      %dma_wait3A_28 = tpu.memref_squeeze %dma_wait3A_27 : memref<1x1x10112xf32, #tpu.memory_space<hbm>> -> memref<10112xf32, #tpu.memory_space<hbm>>
      tpu.wait_dma2 semaphore(%run_scoped3A : memref<!tpu.dma_semaphore, #tpu.memory_space<semaphore_mem>>) src(%arg5 : memref<10112xf32, #tpu.memory_space<vmem>>) dst(%dma_wait3A_28 : memref<10112xf32, #tpu.memory_space<hbm>>)
      tpu.yield
    }) : () -> ()
    return
  }
}

module attributes {stable_mosaic.version = 14 : i64} {
  func.func @_dinv_body(%arg0: memref<32x10112xf32, #tpu.memory_space<vmem>>, %arg1: memref<1x10000xi32, #tpu.memory_space<vmem>>, %arg2: memref<1x10000xf32, #tpu.memory_space<vmem>>, %arg3: memref<1x10016xi32, #tpu.memory_space<vmem>>) attributes {dimension_semantics = [], scalar_prefetch = 0 : i64, scratch_operands = 0 : i64, tpu.core_type = #tpu.core_type<tc>} {
    %get3A = arith.constant 0 : index
    %get3A_0 = arith.constant 0 : index
    %get3A_1 = vector.load %arg0[%get3A, %get3A_0] : memref<32x10112xf32, #tpu.memory_space<vmem>>, vector<32x10112xf32>
    %reduce_sum3A = arith.constant dense<0.000000e+00> : vector<10112xf32>
    %reduce_sum3A_2 = vector.multi_reduction <add>, %get3A_1, %reduce_sum3A [0] : vector<32x10112xf32> to vector<10112xf32>
    %broadcast_in_dim3A = vector.shape_cast %reduce_sum3A_2 : vector<10112xf32> to vector<1x10112xf32>
    %slice3A = vector.extract_strided_slice %broadcast_in_dim3A {offsets = [0, 0], sizes = [1, 10000], strides = [1, 1]} : vector<1x10112xf32> to vector<1x10000xf32>
    %add3A = arith.constant 1.000000e+00 : f32
    %add3A_3 = vector.broadcast %add3A : f32 to vector<1x10000xf32>
    %add3A_4 = arith.addf %slice3A, %add3A_3 : vector<1x10000xf32>
    %rsqrt3A = math.rsqrt %add3A_4 : vector<1x10000xf32>
    %swap3A = arith.constant 0 : index
    %swap3A_5 = arith.constant 0 : index
    %swap3A_6 = vector.load %arg2[%swap3A, %swap3A_5] : memref<1x10000xf32, #tpu.memory_space<vmem>>, vector<1x10000xf32>
    tpu.vector_store %arg2[%swap3A, %swap3A_5], %rsqrt3A {strides = array<i32>} : memref<1x10000xf32, #tpu.memory_space<vmem>>, vector<1x10000xf32>,
    %bitcast_convert_type3A = tpu.bitcast %rsqrt3A : vector<1x10000xf32> -> vector<1x10000xi32>
    %get3A_7 = arith.constant 0 : index
    %get3A_8 = arith.constant 0 : index
    %get3A_9 = vector.load %arg1[%get3A_7, %get3A_8] : memref<1x10000xi32, #tpu.memory_space<vmem>>, vector<1x10000xi32>
    %shift_left3A = arith.constant 28 : i32
    %shift_left3A_10 = vector.broadcast %shift_left3A : i32 to vector<1x10000xi32>
    %shift_left3A_11 = arith.shli %get3A_9, %shift_left3A_10 : vector<1x10000xi32>
    %add3A_12 = arith.constant 2 : i32
    %add3A_13 = vector.broadcast %add3A_12 : i32 to vector<1x10000xi32>
    %add3A_14 = arith.addi %bitcast_convert_type3A, %add3A_13 : vector<1x10000xi32>
    %shift_right_logical3A = arith.constant 2 : i32
    %shift_right_logical3A_15 = vector.broadcast %shift_right_logical3A : i32 to vector<1x10000xi32>
    %shift_right_logical3A_16 = arith.shrui %add3A_14, %shift_right_logical3A_15 : vector<1x10000xi32>
    %or3A = arith.ori %shift_left3A_11, %shift_right_logical3A_16 : vector<1x10000xi32>
    %squeeze3A = vector.shape_cast %or3A : vector<1x10000xi32> to vector<10000xi32>
    %swap3A_17 = arith.constant 0 : index
    %swap3A_18 = arith.constant 0 : index
    %swap3A_19 = vector.load %arg3[%swap3A_17, %swap3A_18] : memref<1x10016xi32, #tpu.memory_space<vmem>>, vector<1x10000xi32>
    %swap3A_20 = vector.shape_cast %swap3A_19 : vector<1x10000xi32> to vector<10000xi32>
    %swap3A_21 = vector.shape_cast %squeeze3A : vector<10000xi32> to vector<1x10000xi32>
    tpu.vector_store %arg3[%swap3A_17, %swap3A_18], %swap3A_21 {strides = array<i32>} : memref<1x10016xi32, #tpu.memory_space<vmem>>, vector<1x10000xi32>,
    %broadcast_in_dim3A_22 = arith.constant 0 : i32
    %broadcast_in_dim3A_23 = vector.broadcast %broadcast_in_dim3A_22 : i32 to vector<16xi32>
    %swap3A_24 = arith.constant 0 : index
    %swap3A_25 = arith.constant 10000 : index
    %swap3A_26 = vector.load %arg3[%swap3A_24, %swap3A_25] : memref<1x10016xi32, #tpu.memory_space<vmem>>, vector<1x16xi32>
    %swap3A_27 = vector.shape_cast %swap3A_26 : vector<1x16xi32> to vector<16xi32>
    %swap3A_28 = vector.shape_cast %broadcast_in_dim3A_23 : vector<16xi32> to vector<1x16xi32>
    tpu.vector_store %arg3[%swap3A_24, %swap3A_25], %swap3A_28 {strides = array<i32>} : memref<1x10016xi32, #tpu.memory_space<vmem>>, vector<1x16xi32>,
    return
  }
}

module attributes {stable_mosaic.version = 14 : i64} {
  func.func @_head_body(%arg0: memref<2x16x10112xf32, #tpu.memory_space<vmem>>, %arg1: memref<1x10000xf32, #tpu.memory_space<vmem>>, %arg2: memref<1x10000xi32, #tpu.memory_space<vmem>>, %arg3: memref<10000x128xf32, #tpu.memory_space<vmem>>, %arg4: memref<128x128xf32, #tpu.memory_space<vmem>>, %arg5: memref<1x128xf32, #tpu.memory_space<vmem>>, %arg6: memref<128x10xf32, #tpu.memory_space<vmem>>, %arg7: memref<1x10xf32, #tpu.memory_space<vmem>>, %arg8: memref<16x10xf32, #tpu.memory_space<vmem>>) attributes {dimension_semantics = [], scalar_prefetch = 0 : i64, scratch_operands = 0 : i64, tpu.core_type = #tpu.core_type<tc>} {
    %get3A = arith.constant 0 : index
    %get3A_0 = arith.constant 0 : index
    %get3A_1 = arith.constant 0 : index
    %get3A_2 = vector.load %arg0[%get3A, %get3A_0, %get3A_1] : memref<2x16x10112xf32, #tpu.memory_space<vmem>>, vector<1x16x10000xf32>
    %get3A_3 = vector.shape_cast %get3A_2 : vector<1x16x10000xf32> to vector<16x10000xf32>
    %get3A_4 = arith.constant 1 : index
    %get3A_5 = arith.constant 0 : index
    %get3A_6 = arith.constant 0 : index
    %get3A_7 = vector.load %arg0[%get3A_4, %get3A_5, %get3A_6] : memref<2x16x10112xf32, #tpu.memory_space<vmem>>, vector<1x16x10000xf32>
    %get3A_8 = vector.shape_cast %get3A_7 : vector<1x16x10000xf32> to vector<16x10000xf32>
    %add3A = arith.addf %get3A_3, %get3A_8 : vector<16x10000xf32>
    %get3A_9 = arith.constant 0 : index
    %get3A_10 = arith.constant 0 : index
    %get3A_11 = vector.load %arg1[%get3A_9, %get3A_10] : memref<1x10000xf32, #tpu.memory_space<vmem>>, vector<1x10000xf32>
    %iota3A = tpu.iota {dimensions = array<i32: 0>} : vector<16x10000xi32>
    %get3A_12 = arith.constant 0 : index
    %get3A_13 = arith.constant 0 : index
    %get3A_14 = vector.load %arg2[%get3A_12, %get3A_13] : memref<1x10000xi32, #tpu.memory_space<vmem>>, vector<1x10000xi32>
    %eq3A = vector.broadcast %get3A_14 : vector<1x10000xi32> to vector<16x10000xi32>
    %eq3A_15 = arith.cmpi eq, %eq3A, %iota3A : vector<16x10000xi32>
    %mul3A = vector.broadcast %get3A_11 : vector<1x10000xf32> to vector<16x10000xf32>
    %mul3A_16 = arith.mulf %mul3A, %add3A : vector<16x10000xf32>
    %mul3A_17 = arith.mulf %get3A_11, %get3A_11 : vector<1x10000xf32>
    %jit3A = arith.constant 0.000000e+00 : f32
    %broadcast_in_dim3A = vector.shape_cast %mul3A_17 : vector<1x10000xf32> to vector<1x10000xf32>
    %broadcast_in_dim3A_18 = vector.broadcast %broadcast_in_dim3A : vector<1x10000xf32> to vector<16x10000xf32>
    %broadcast_in_dim3A_19 = vector.broadcast %jit3A : f32 to vector<16x10000xf32>
    %select_n3A = arith.select %eq3A_15, %broadcast_in_dim3A_18, %broadcast_in_dim3A_19 : vector<16x10000xi1>, vector<16x10000xf32>
    %add3A_20 = arith.addf %mul3A_16, %select_n3A : vector<16x10000xf32>
    %convert_element_type3A = arith.extui %eq3A_15 : vector<16x10000xi1> to vector<16x10000xi32>
    %convert_element_type3A_21 = arith.sitofp %convert_element_type3A : vector<16x10000xi32> to vector<16x10000xf32>
    %reduce_sum3A = arith.constant dense<0.000000e+00> : vector<16xf32>
    %reduce_sum3A_22 = vector.multi_reduction <add>, %convert_element_type3A_21, %reduce_sum3A [1] : vector<16x10000xf32> to vector<16xf32>
    %broadcast_in_dim3A_23 = vector.shape_cast %reduce_sum3A_22 : vector<16xf32> to vector<16x1xf32>
    %get3A_24 = arith.constant 0 : index
    %get3A_25 = arith.constant 0 : index
    %get3A_26 = vector.load %arg3[%get3A_24, %get3A_25] : memref<10000x128xf32, #tpu.memory_space<vmem>>, vector<10000x128xf32>
    %get3A_27 = arith.constant 0 : index
    %get3A_28 = arith.constant 0 : index
    %get3A_29 = vector.load %arg4[%get3A_27, %get3A_28] : memref<128x128xf32, #tpu.memory_space<vmem>>, vector<128x128xf32>
    %dot_general3A = arith.constant dense<0.000000e+00> : vector<10000x128xf32>
    %dot_general3A_30 = tpu.matmul %get3A_26, %get3A_29, %dot_general3A {dimension_numbers = #tpu.dot_dimension_numbers<[1], [0], [0], [1], [0, 0, 1, 1], [], []>, transpose_lhs_hint = false} : vector<10000x128xf32>, vector<128x128xf32>, vector<10000x128xf32> -> vector<10000x128xf32>
    %dot_general3A_31 = arith.constant dense<0.000000e+00> : vector<16x128xf32>
    %dot_general3A_32 = tpu.matmul %add3A_20, %dot_general3A_30, %dot_general3A_31 {dimension_numbers = #tpu.dot_dimension_numbers<[1], [0], [0], [1], [0, 0, 1, 1], [], []>, precision = #tpu.contract_precision<fp32>, transpose_lhs_hint = false} : vector<16x10000xf32>, vector<10000x128xf32>, vector<16x128xf32> -> vector<16x128xf32>
    %get3A_33 = arith.constant 0 : index
    %get3A_34 = arith.constant 0 : index
    %get3A_35 = vector.load %arg5[%get3A_33, %get3A_34] : memref<1x128xf32, #tpu.memory_space<vmem>>, vector<1x128xf32>
    %mul3A_36 = vector.broadcast %broadcast_in_dim3A_23 : vector<16x1xf32> to vector<16x128xf32>
    %mul3A_37 = vector.broadcast %get3A_35 : vector<1x128xf32> to vector<16x128xf32>
    %mul3A_38 = arith.mulf %mul3A_36, %mul3A_37 : vector<16x128xf32>
    %add3A_39 = arith.addf %dot_general3A_32, %mul3A_38 : vector<16x128xf32>
    %get3A_40 = arith.constant 0 : index
    %get3A_41 = arith.constant 0 : index
    %get3A_42 = vector.load %arg6[%get3A_40, %get3A_41] : memref<128x10xf32, #tpu.memory_space<vmem>>, vector<128x10xf32>
    %dot_general3A_43 = arith.constant dense<0.000000e+00> : vector<16x10xf32>
    %dot_general3A_44 = tpu.matmul %add3A_39, %get3A_42, %dot_general3A_43 {dimension_numbers = #tpu.dot_dimension_numbers<[1], [0], [0], [1], [0, 0, 1, 1], [], []>, transpose_lhs_hint = false} : vector<16x128xf32>, vector<128x10xf32>, vector<16x10xf32> -> vector<16x10xf32>
    %get3A_45 = arith.constant 0 : index
    %get3A_46 = arith.constant 0 : index
    %get3A_47 = vector.load %arg7[%get3A_45, %get3A_46] : memref<1x10xf32, #tpu.memory_space<vmem>>, vector<1x10xf32>
    %add3A_48 = vector.broadcast %get3A_47 : vector<1x10xf32> to vector<16x10xf32>
    %add3A_49 = arith.addf %dot_general3A_44, %add3A_48 : vector<16x10xf32>
    %reduce_max3A = arith.constant dense<0xFF800000> : vector<16xf32>
    %reduce_max3A_50 = vector.multi_reduction <maximumf>, %add3A_49, %reduce_max3A [1] : vector<16x10xf32> to vector<16xf32>
    %broadcast_in_dim3A_51 = vector.shape_cast %reduce_max3A_50 : vector<16xf32> to vector<16x1xf32>
    %sub3A = vector.broadcast %broadcast_in_dim3A_51 : vector<16x1xf32> to vector<16x10xf32>
    %sub3A_52 = arith.subf %add3A_49, %sub3A : vector<16x10xf32>
    %exp3A = math.exp %sub3A_52 : vector<16x10xf32>
    %reduce_sum3A_53 = arith.constant dense<0.000000e+00> : vector<16xf32>
    %reduce_sum3A_54 = vector.multi_reduction <add>, %exp3A, %reduce_sum3A_53 [1] : vector<16x10xf32> to vector<16xf32>
    %broadcast_in_dim3A_55 = vector.shape_cast %reduce_sum3A_54 : vector<16xf32> to vector<16x1xf32>
    %div3A = vector.broadcast %broadcast_in_dim3A_55 : vector<16x1xf32> to vector<16x10xf32>
    %div3A_56 = arith.divf %exp3A, %div3A : vector<16x10xf32>
    %swap3A = arith.constant 0 : index
    %swap3A_57 = arith.constant 0 : index
    %swap3A_58 = vector.load %arg8[%swap3A, %swap3A_57] : memref<16x10xf32, #tpu.memory_space<vmem>>, vector<16x10xf32>
    tpu.vector_store %arg8[%swap3A, %swap3A_57], %div3A_56 {strides = array<i32>} : memref<16x10xf32, #tpu.memory_space<vmem>>, vector<16x10xf32>,
    return
  }
}

</mosaic_0001>

<sc_bundles>
// kernel: kernel.6.cloned.1.call-start
scs
__scs_entry_jumppad:
0x0: {  	(pc) =	sbr.rel $0x88, $3  }
0x1: {  	(tag) =	ssettag $0x0;
	lr =	simm.s32 $0x1  }
0x2: {  	[smem:$0x3F9A] =	sst lr;
	_ =	strace $0xD0000000  }
0x3: {  	_ = 	snop  }
0x4: {  	_ = 	snop  }
0x5: {  	_ = 	snop  }
0x6: {  	_ = 	snop  }
0x7: {  	_ = 	snop  }
__scs_overlays_trampoline_lowered:
0x8: {  	[smem:$0x3FA9] =	sst s0  }
0x9: {  	[smem:$0x3FAA] =	sst s1  }
0xa: {  	[smem:$0x3FAB] =	sst s2  }
0xb: {  	[smem:$0x3FAC] =	sst s3  }
0xc: {  	[smem:$0x3FAD] =	sst s4  }
0xd: {  	[smem:$0x3FAE] =	sst s5  }
0xe: {  	[smem:$0x3FAF] =	sst s6  }
0xf: {  	[smem:$0x3FB0] =	sst s7  }
0x10: {  	[smem:$0x3FB1] =	sst s8  }
0x11: {  	[smem:$0x3FB2] =	sst s9;
	s0 =	simm.s32 @!p0 $0x0  }
0x12: {  	s1 =	sld [smem:$0x3F98];
	s0 =	simm.s32 @p0 $0x1  }
0x13: {  	[smem:$0x3FB3] =	sst s0;
	s0 =	simm.s32 @!p1 $0x0  }
0x14: {  	s2 =	sld [smem:$0x3F97];
	s0 =	simm.s32 @p1 $0x1  }
0x15: {  	[smem:$0x3FB4] =	sst s0;
	s0 =	simm.s32 @!p2 $0x0  }
0x16: {  	s3 =	sld [smem:$0x3FDB];
	s0 =	simm.s32 @p2 $0x1  }
0x17: {  	s4 =	simm.s32 $0x1BF5;
	[smem:$0x3FB6] =	sst s0  }
0x18: {  	s0 =	sld [smem:$0x3F99];
	_ =	swait.ge [sflag:s4], $0x0  }
0x19: {  	s7 =	sld [smem:$0x3F9A]  }
0x1a: {  	s8 =	sadd.s32 $0xFFFFE003, lr  }
0x1b: {  	s9 =	sadd.s32 $0xFFFFFEF7, lr;
	s5 =	simm.s32 $0xFFFFFFFF;
	p2 =	slt.u32 s8, $0xFFFFF086  }
0x1c: {  	p1 =	slt.u32 s9, $0xF7A;
	s5 =	simm.s32 @!p2 $0x0  }
0x1d: {  	s5 =	simm.s32 @p1 $0x1;
	p0 =	seq.s32 s7, s2  }
0x1e: {  	s7 =	smul.u32 @!p0 $0xF7A, s2;
	p2 =	seq.s32 @!p0 s5, $0x0  }
0x1f: {  	s9 =	smul.u32 $0xF7A, s1;
	s8 =	simm.s32 @!p0 $0x1BF5;
	p2 =	por !p2, p0  }
0x20: {  	[sflag:s8] =	ssyncset.s32 @!p0 $0xFFFFF086;
	s6 =	sadd.s32 @!p0 s3, s7;
	s7 =	simm.s32 @!p0 $0x108  }
0x21: {  	s3 =	sadd.s32 s3, s9;
	s6 =	sadd.s32 @!p0 $0x88, s6;
	s7 =	simm.s32 @p2 $0x1082  }
0x22: {  	[simem:s7], [sflag:s8] =	dma.local @!p0 [hbm:s6], $0xF7A  }
0x23: {  	s9 =	sor.u32 $0xD0000000, s2;
	s6 =	simm.s32 $0x108;
	_ =	swait.ge @!p0 [sflag:s8], $0x0  }
0x24: {  	s3 =	sadd.s32 $0x88, s3;
	s6 =	simm.s32 @!p1 $0x1082;
	[sflag:s4] =	ssyncset.s32 $0xFFFFF086  }
0x25: {  	[simem:s6], [sflag:s4] =	dma.local [hbm:s3], $0xF7A  }
0x26: {  	[smem:$0x3F9A] =	sst s1;
	(tag) =	ssettag s2;
	_ =	strace s9  }
0x27: {  	s1 =	sld [smem:$0x3FAA]  }
0x28: {  	s2 =	sld [smem:$0x3FAB]  }
0x29: {  	s4 =	sld [smem:$0x3FAD]  }
0x2a: {  	p0 =	seq.s32 s5, $0x0;
	s5 =	sld [smem:$0x3FAE]  }
0x2b: {  	s6 =	sld [smem:$0x3FAF]  }
0x2c: {  	s7 =	sld [smem:$0x3FB0]  }
0x2d: {  	s3 =	simm.s32 $0x108;
	s8 =	sld [smem:$0x3FB1]  }
0x2e: {  	s3 =	simm.s32 @!p0 $0x1082;
	s9 =	sld [smem:$0x3FB2]  }
0x2f: {  	lr =	sadd.s32 s0, s3;
	s0 =	sld [smem:$0x3FA9]  }
0x30: {  	s3 =	sld [smem:$0x3FAC]  }
0x31: {  	[smem:$0x3FB5] =	sst s10  }
0x32: {  	s10 =	sld [smem:$0x3FB3];
	_ =	sdelay $0x3  }
0x33: {  	p0 =	seq.s32 s10, $0x1;
	s10 =	sld [smem:$0x3FB5];
	_ =	sdelay $0x3  }
0x34: {  	[smem:$0x3FB5] =	sst s10  }
0x35: {  	s10 =	sld [smem:$0x3FB4];
	_ =	sdelay $0x3  }
0x36: {  	p1 =	seq.s32 s10, $0x1;
	s10 =	sld [smem:$0x3FB5];
	_ =	sdelay $0x3  }
0x37: {  	[smem:$0x3FB5] =	sst s10  }
0x38: {  	s10 =	sld [smem:$0x3FB6]  }
0x39: {  	_ = 	snop;
	(pc) =	sbr.ind lr, $3  }
0x3a: {  	_ = 	snop  }
0x3b: {  	_ = 	snop  }
0x3c: {  	p2 =	seq.s32 s10, $0x1;
	s10 =	sld [smem:$0x3FB5]  }
0x3d: {  	_ =	shalt  }
0x3e: {  	_ =	shalt  }
0x3f: {  	_ =	shalt  }
0x40: {  	_ =	shalt  }
0x41: {  	_ =	shalt  }
0x42: {  	_ =	shalt  }
0x43: {  	_ =	shalt  }
0x44: {  	_ =	shalt  }
0x45: {  	_ =	shalt  }
0x46: {  	_ =	shalt  }
0x47: {  	_ =	shalt  }
0x48: {  	_ =	shalt  }
0x49: {  	_ =	shalt  }
0x4a: {  	_ =	shalt  }
0x4b: {  	_ =	shalt  }
0x4c: {  	_ =	shalt  }
0x4d: {  	_ =	shalt  }
0x4e: {  	_ =	shalt  }
0x4f: {  	_ =	shalt  }
0x50: {  	_ =	shalt  }
0x51: {  	_ =	shalt  }
0x52: {  	_ =	shalt  }
0x53: {  	_ =	shalt  }
0x54: {  	_ =	shalt  }
0x55: {  	_ =	shalt  }
0x56: {  	_ =	shalt  }
0x57: {  	_ =	shalt  }
0x58: {  	_ =	shalt  }
0x59: {  	_ =	shalt  }
0x5a: {  	_ =	shalt  }
0x5b: {  	_ =	shalt  }
0x5c: {  	_ =	shalt  }
0x5d: {  	_ =	shalt  }
0x5e: {  	_ =	shalt  }
0x5f: {  	_ =	shalt  }
0x60: {  	_ =	shalt  }
0x61: {  	_ =	shalt  }
0x62: {  	_ =	shalt  }
0x63: {  	_ =	shalt  }
0x64: {  	_ =	shalt  }
0x65: {  	_ =	shalt  }
0x66: {  	_ =	shalt  }
0x67: {  	_ =	shalt  }
0x68: {  	_ =	shalt  }
0x69: {  	_ =	shalt  }
0x6a: {  	_ =	shalt  }
0x6b: {  	_ =	shalt  }
0x6c: {  	_ =	shalt  }
0x6d: {  	_ =	shalt  }
0x6e: {  	_ =	shalt  }
0x6f: {  	_ =	shalt  }
0x70: {  	_ =	shalt  }
0x71: {  	_ =	shalt  }
0x72: {  	_ =	shalt  }
0x73: {  	_ =	shalt  }
0x74: {  	_ =	shalt  }
0x75: {  	_ =	shalt  }
0x76: {  	_ =	shalt  }
0x77: {  	_ =	shalt  }
0x78: {  	_ =	shalt  }
0x79: {  	_ =	shalt  }
0x7a: {  	_ =	shalt  }
0x7b: {  	_ =	shalt  }
0x7c: {  	_ =	shalt  }
0x7d: {  	_ =	shalt  }
0x7e: {  	_ =	shalt  }
0x7f: {  	_ =	shalt  }
0x80: {  	_ =	shalt  }
0x81: {  	_ =	shalt  }
0x82: {  	_ =	shalt  }
0x83: {  	_ =	shalt  }
0x84: {  	_ =	shalt  }
0x85: {  	_ =	shalt  }
0x86: {  	_ =	shalt  }
0x87: {  	_ =	shalt  }
.Lfunc_end0:
.L_simem_size_0:
called_computation_lowered:
.L_overlay_start_0:
0x88: {  	s2 =	sld [smem:$0x3FD9]  }
0x89: {  	s3 =	sld [smem:$0x3FFE];
	_ =	sdelay $0x1  }
0x8a: {  	s1 =	srdreg.scid  }
0x8b: {  	s0 =	sand.u32 $0x1, s1  }
0x8c: {  	s16 =	sshll.u32 s0, $0xA;
	s2 =	sadd.s32 s3, s2  }
0x8d: {  	s2 =	sadd.s32 s2, s16  }
0x8e: {  	[smem:$0x3FC1] =	sst s2  }
0x8f: {  	_ = 	snop  }
0x90: {  	(tm) =	ssettm $0x1  }
0x91: {  	s17 =	sld [smem:$0x3FFB];
	_ =	sdelay $0x3  }
0x92: {  	_ =	strace s17  }
0x93: {  	s2 =	sld [smem:$0x3FFC];
	_ =	sdelay $0x3  }
0x94: {  	_ =	strace s2  }
0x95: {  	s2 =	sld [smem:$0x3FFD];
	_ =	sdelay $0x3  }
0x96: {  	_ =	strace s2  }
0x97: {  	_ =	strace $0x8FFFFFFF  }
0x98: {  	s18 =	sld [smem:$0x3FDB];
	_ =	sdelay $0x1  }
0x99: {  	s19 =	simm.s32 $_scs_section_size  }
0x9a: {  	s4 =	simm.s32 $_size__tile_overlayer_lowered;
	s5 =	simm.s32 $_tile_overlayer_lowered  }
0x9b: {  	s22 =	simm.s32 $0x1BFF;
	s21 =	sshll.u32 s5, $0x1;
	s2 =	sadd.s32 s19, s18  }
0x9c: {  	s6 =	simm.s32 $0x0;
	s20 =	sshll.u32 s4, $0x1;
	s4 =	sadd.s32 s21, s2  }
0x9d: {  	[timem:s6], [sflag:s22] =	dma.local [hbm:s4], s20  }
0x9e: {  	_ =	swait.ge [sflag:s22], s20  }
0x9f: {  	s3 =	ssub.s32 $0x0, s20;
	[sflag:s22] =	ssyncset.done $0x0  }
0xa0: {  	[sflag:s22] =	ssyncadd.s32 s3;
	_ =	sdelay $0x1  }
0xa1: {  	s23 =	simm.s32 $0x1B8B  }
0xa2: {  	_ =	swait.ge [sflag:s23], $0x1  }
0xa3: {  	[sflag:s23] =	ssyncset.done $0x0  }
0xa4: {  	s25 =	simm.s32 $0x1B8E;
	s24 =	sld [smem:$0x3FFE];
	[sflag:s23] =	ssyncadd.s32 $0xFFFFFFFF  }
0xa5: {  	s26 =	simm.s32 $execute0_lowered;
	[smem:$0x3FD2] =	sst s25  }
0xa6: {  	s4 =	sshll.u32 s26, $0x1;
	_ =	strace $0x80000046;
	[dreg:$0x1] =	wrdreg $0xFFFFFFFF  }
0xa7: {  	s28 =	simm.s32 $_size_execute0_lowered;
	s2 =	sadd.s32 s2, s4;
	[dreg:$0x0] =	wrdreg $0x0  }
0xa8: {  	s4 =	sshll.u32 s28, $0x1;
	[dreg:$0x2] =	wrdreg s2  }
0xa9: {  	[dreg:$0x3] =	wrdreg s4  }
0xaa: {  	[dreg:$0x4] =	wrdreg $0xC0  }
0xab: {  	_ =	task [dreg:s6], $0x5FFFF  }
0xac: {  	[dreg:$0x1] =	wrdreg $0xFFFFFFFF  }
0xad: {  	[dreg:$0x0] =	wrdreg $0x60  }
0xae: {  	[dreg:$0x2] =	wrdreg s24  }
0xaf: {  	[dreg:$0x3] =	wrdreg $0x9  }
0xb0: {  	_ =	task.clear_ibuf [dreg:s6], $0x4FFFF;
	_ =	strace $0x90000046  }
0xb1: {  	s29 =	simm.s32 $0x9;
	_ =	strace $0x80000048  }
0xb2: {  	_ =	swait.ge [sflag:s29], $0x1  }
0xb3: {  	[sflag:s29] =	ssyncadd.s32 $0xFFFFFFFF  }
0xb4: {  	_ =	strace $0x90000048  }
0xb5: {  	_ =	sfence  }
0xb6: {  	s30 =	sld [smem:$0x0];
	_ =	sdelay $0x2  }
0xb7: {  	s31 =	sshll.u32 s1, $0xD;
	s1 =	sshrl.u32 s1, $0x2  }
0xb8: {  	s3 =	sand.u32 $0x4000, s31;
	s1 =	sadd.s32 s1, s30  }
0xb9: {  	s0 =	sor.u32 s3, s0;
	s1 =	sshll.u32 s1, $0x11  }
0xba: {  	s0 =	sor.u32 s1, s0  }
0xbb: {  	s0 =	sadd.s32 $0x8F2B, s0  }
0xbc: {  	[sflag:s0] =	ssyncadd.remote.s32 $0x1  }
0xbd: {  	_ =	sfence.sel $0xFFFF  }
0xbe: {  	[dreg:$0x0] =	wrdreg $0xFFFFFFFF;
	(pc) =	sbr.abs _section_cstart, $3  }
0xbf: {  	[dreg:$0x1] =	wrdreg $0xFFFFFFFF  }
0xc0: {  	_ =	task.clear_ibuf [dreg:s6], $0x2FFFF;
	_ =	strace $0x9FFFFFFF  }
0xc1: {  	(tm) =	ssettm $0x7FFFFFFF  }
tec
execute0_lowered:
.L_overlay_start_1:
0x0: {  	(tag) =	ssettag $0x1  }
0x1: {  	s0 =	srdreg.scid  }
0x2: {  	s3 =	rddreg [dreg:$0x0];
	s1 =	stileid.u32;
	s2 =	simm.s32 $0x0  }
0x3: {  	s9 =	simm.s32 $0x400;
	s4 =	sand.u32 $0x1, s0;
	s0 =	rddreg [dreg:$0x1]  }
0x4: {  	s6 =	sshrl.u32 s1, $0x3;
	[smem:$0x7FF] =	sst s2;
	s5 =	smul.u32 $0x27800, s4  }
0x5: {  	s8 =	sshll.u32 s1, $0x7;
	s7 =	sshll.u32 s4, $0x4;
	s6 =	smul.u32 $0x13C00, s6  }
0x6: {  	s29 =	sand.u32 $0x380, s8;
	_ =	strace $0x80000047;
	s7 =	sor.u32 s1, s7  }
0x7: {  	s4 =	ssub.s32 $0x2, s4;
	s7 =	smul.u32 $0x500, s7;
	s5 =	sadd.s32 s5, s6  }
0x8: {  	s8 =	simm.s32 $0x80;
	s31 =	sshrl.u32 s4, $0x1;
	s5 =	sor.u32 s29, s5  }
0x9: {  	s6 =	simm.s32 $0x1;
	s30 =	sadd.s32 s7, s3;
	s5 =	sshrl.u32 s5, $0x3  }
0xa: {  	s7 =	ssub.s32 s4, s31;
	s5 =	sadd.s32 s5, s3;
	s3 =	sadd.s32 $0x1200, s30  }
0xb: {  	v0 =	vimm.f32 $0.0e+00;
	v1 =	vimm.f32 $1.000000000e+00;
	s4 =	sadd.s32 $0xB200, s5;
	s5 =	smax.u32 s7, $0x1;
	s7 =	simm.s32 $0x2800  }
.LBB2_1:
0xc: {  	s11 =	simm.s32 $0x100;
	s10 =	simm.s32 $0x0  }
.LBB2_2:
0xd: {  	p0 =	sne.s32 s11, $0x9D00;
	[tilespmem:s10+$0x2830] =	vst v0;
	s12 =	smov.u32 s11;
	s11 =	sadd.s32 $0x100, s11  }
.Ltmp0:
0xe: {  	[tilespmem:s10+$0x2820] =	vst v0;
	(pc) =	sbr.rel @p0 .LBB2_2-.Ltmp0, $3  }
0xf: {  	[tilespmem:s10+$0x2800] =	vst v0  }
0x10: {  	[tilespmem:s10+$0x2810] =	vst v0;
	_ =	sdelay $0x1  }
0x11: {  	s10 =	sshra.s32 s12, $0x2  }
0x12: {  	[tilespmem:s10+$0x2830] =	vst v0  }
0x13: {  	[tilespmem:s10+$0x2820] =	vst v0  }
0x14: {  	[tilespmem:s10+$0x2800] =	vst v0  }
0x15: {  	[tilespmem:s10+$0x2810] =	vst v0;
	s10 =	simm.s32 $0x0  }
0x16: {  	[tilespmem:s10], [sflag:$0x1] =	stream.linear.gather [hbm4b:s3+s10], $0x2800, $0x38;
	[tilespmem:$0x4F80] =	vst v63  }
0x17: {  	_ =	swait.ge [sflag:s6], $0x2800  }
0x18: {  	[sflag:s6] =	ssyncset.done $0x0  }
0x19: {  	[sflag:s6] =	ssyncadd.s32 $0xFFFFD800  }
.LBB2_4:
0x1a: {  	s11 =	sshra.s32 s10, $0x2  }
0x1b: {  	v2 =	vld [tilespmem:s11+$0x0];
	_ =	sdelay $0x7  }
0x1c: {  	[tilespmem:v2+s7+$0x0] =	vst.idx.add.f32.msk $0xffff, v1  }
0x1d: {  	v2 =	vld [tilespmem:s11+$0x10];
	_ =	sdelay $0x7  }
0x1e: {  	[tilespmem:v2+s7+$0x0] =	vst.idx.add.f32.msk $0xffff, v1  }
0x1f: {  	v2 =	vld [tilespmem:s11+$0x20];
	_ =	sdelay $0x7  }
0x20: {  	[tilespmem:v2+s7+$0x0] =	vst.idx.add.f32.msk $0xffff, v1  }
0x21: {  	v2 =	vld [tilespmem:s11+$0x30];
	_ =	sdelay $0x2  }
0x22: {  	p0 =	sne.s32 s10, $0x9F00  }
.Ltmp1:
0x23: {  	_ = 	snop;
	(pc) =	sbr.rel @p0 .LBB2_4-.Ltmp1, $2  }
0x24: {  	_ =	sdelay $0x2  }
0x25: {  	s10 =	sadd.s32 $0x100, s10;
	[tilespmem:v2+s7+$0x0] =	vst.idx.add.f32.msk $0xffff, v1  }
0x26: {  	s2 =	sadd.s32 $0x1, s2  }
0x27: {  	p0 =	sne.s32 s2, s5  }
.Ltmp2:
0x28: {  	_ = 	snop;
	(pc) =	sbr.rel @p0 .LBB2_1-.Ltmp2, $4  }
0x29: {  	[hbm4b:s4+s8] =	stream.strided.scatter [tilespmem:s7], [sflag:$0x1], $0x2780, s9, s8, $0x38;
	[tilespmem:$0x4F80] =	vst v63  }
0x2a: {  	_ =	swait.ge [sflag:s6], $0x2780  }
0x2b: {  	[sflag:s6] =	ssyncset.done $0x0  }
0x2c: {  	[sflag:s6] =	ssyncadd.s32 $0xFFFFD880  }
0x2d: {  	_ =	sfence.sel $0x180000  }
0x2e: {  	[bflag:$0x0] =	sbarrier.arrive $0xFFFF  }
0x2f: {  	p0 =	sne.s32 s1, $0x0;
	_ =	strace $0x90000047  }
0x30: {  	s0 =	sadd.s32 @!p0 $0x100000, s0;
	[bflag:$0x2] =	sbarrier.arrive $0xFFFF  }
0x31: {  	[sflag:s0] =	ssyncadd.tile.s32 @!p0 $0x1;
	_ =	shalt  }
.Lfunc_end2:
_tile_overlayer_lowered:
.L_overlay_start_2:
0x32: {  	(tag) =	ssettag $0x2  }
0x33: {  	s0 =	rddreg [dreg:$0x0];
	s2 =	stileid.u32  }
0x34: {  	s1 =	rddreg [dreg:$0x1];
	p0 =	sne.s32 s2, $0x0  }
0x35: {  	s3 =	rddreg [dreg:$0x2];
	[bflag:$0x3] =	sbarrier.arrive $0xFFFF;
	s2 =	simm.s32 @!p0 $0x1C01  }
0x36: {  	[timem:s3], [sflag:s2] =	dma.local @!p0 [hbm:s0], s1  }
0x37: {  	s0 =	simm.s32 @!p0 $0x1  }
0x38: {  	_ =	swait.ge @!p0 [sflag:s0], s1  }
0x39: {  	s1 =	ssub.s32 @!p0 $0x0, s1;
	[sflag:s0] =	ssyncset.done @!p0 $0x0  }
0x3a: {  	[sflag:s0] =	ssyncadd.s32 @!p0 s1  }
0x3b: {  	[bflag:$0x3] =	sbarrier.arrive $0xFFFF  }
0x3c: {  	_ =	shalt  }

// kernel: kernel.9.cloned.1.call-start
scs
__scs_entry_jumppad:
0x0: {  	(pc) =	sbr.rel $0x88, $3  }
0x1: {  	(tag) =	ssettag $0x0;
	lr =	simm.s32 $0x1  }
0x2: {  	[smem:$0x3F9A] =	sst lr;
	_ =	strace $0xD0000000  }
0x3: {  	_ = 	snop  }
0x4: {  	_ = 	snop  }
0x5: {  	_ = 	snop  }
0x6: {  	_ = 	snop  }
0x7: {  	_ = 	snop  }
__scs_overlays_trampoline_lowered:
0x8: {  	[smem:$0x3FA9] =	sst s0  }
0x9: {  	[smem:$0x3FAA] =	sst s1  }
0xa: {  	[smem:$0x3FAB] =	sst s2  }
0xb: {  	[smem:$0x3FAC] =	sst s3  }
0xc: {  	[smem:$0x3FAD] =	sst s4  }
0xd: {  	[smem:$0x3FAE] =	sst s5  }
0xe: {  	[smem:$0x3FAF] =	sst s6  }
0xf: {  	[smem:$0x3FB0] =	sst s7  }
0x10: {  	[smem:$0x3FB1] =	sst s8  }
0x11: {  	[smem:$0x3FB2] =	sst s9;
	s0 =	simm.s32 @!p0 $0x0  }
0x12: {  	s1 =	sld [smem:$0x3F98];
	s0 =	simm.s32 @p0 $0x1  }
0x13: {  	[smem:$0x3FB3] =	sst s0;
	s0 =	simm.s32 @!p1 $0x0  }
0x14: {  	s2 =	sld [smem:$0x3F97];
	s0 =	simm.s32 @p1 $0x1  }
0x15: {  	[smem:$0x3FB4] =	sst s0;
	s0 =	simm.s32 @!p2 $0x0  }
0x16: {  	s3 =	sld [smem:$0x3FDB];
	s0 =	simm.s32 @p2 $0x1  }
0x17: {  	s4 =	simm.s32 $0x1BF5;
	[smem:$0x3FB6] =	sst s0  }
0x18: {  	s0 =	sld [smem:$0x3F99];
	_ =	swait.ge [sflag:s4], $0x0  }
0x19: {  	s7 =	sld [smem:$0x3F9A]  }
0x1a: {  	s8 =	sadd.s32 $0xFFFFE003, lr  }
0x1b: {  	s9 =	sadd.s32 $0xFFFFFEF7, lr;
	s5 =	simm.s32 $0xFFFFFFFF;
	p2 =	slt.u32 s8, $0xFFFFF086  }
0x1c: {  	p1 =	slt.u32 s9, $0xF7A;
	s5 =	simm.s32 @!p2 $0x0  }
0x1d: {  	s5 =	simm.s32 @p1 $0x1;
	p0 =	seq.s32 s7, s2  }
0x1e: {  	s7 =	smul.u32 @!p0 $0xF7A, s2;
	p2 =	seq.s32 @!p0 s5, $0x0  }
0x1f: {  	s9 =	smul.u32 $0xF7A, s1;
	s8 =	simm.s32 @!p0 $0x1BF5;
	p2 =	por !p2, p0  }
0x20: {  	[sflag:s8] =	ssyncset.s32 @!p0 $0xFFFFF086;
	s6 =	sadd.s32 @!p0 s3, s7;
	s7 =	simm.s32 @!p0 $0x108  }
0x21: {  	s3 =	sadd.s32 s3, s9;
	s6 =	sadd.s32 @!p0 $0x88, s6;
	s7 =	simm.s32 @p2 $0x1082  }
0x22: {  	[simem:s7], [sflag:s8] =	dma.local @!p0 [hbm:s6], $0xF7A  }
0x23: {  	s9 =	sor.u32 $0xD0000000, s2;
	s6 =	simm.s32 $0x108;
	_ =	swait.ge @!p0 [sflag:s8], $0x0  }
0x24: {  	s3 =	sadd.s32 $0x88, s3;
	s6 =	simm.s32 @!p1 $0x1082;
	[sflag:s4] =	ssyncset.s32 $0xFFFFF086  }
0x25: {  	[simem:s6], [sflag:s4] =	dma.local [hbm:s3], $0xF7A  }
0x26: {  	[smem:$0x3F9A] =	sst s1;
	(tag) =	ssettag s2;
	_ =	strace s9  }
0x27: {  	s1 =	sld [smem:$0x3FAA]  }
0x28: {  	s2 =	sld [smem:$0x3FAB]  }
0x29: {  	s4 =	sld [smem:$0x3FAD]  }
0x2a: {  	p0 =	seq.s32 s5, $0x0;
	s5 =	sld [smem:$0x3FAE]  }
0x2b: {  	s6 =	sld [smem:$0x3FAF]  }
0x2c: {  	s7 =	sld [smem:$0x3FB0]  }
0x2d: {  	s3 =	simm.s32 $0x108;
	s8 =	sld [smem:$0x3FB1]  }
0x2e: {  	s3 =	simm.s32 @!p0 $0x1082;
	s9 =	sld [smem:$0x3FB2]  }
0x2f: {  	lr =	sadd.s32 s0, s3;
	s0 =	sld [smem:$0x3FA9]  }
0x30: {  	s3 =	sld [smem:$0x3FAC]  }
0x31: {  	[smem:$0x3FB5] =	sst s10  }
0x32: {  	s10 =	sld [smem:$0x3FB3];
	_ =	sdelay $0x3  }
0x33: {  	p0 =	seq.s32 s10, $0x1;
	s10 =	sld [smem:$0x3FB5];
	_ =	sdelay $0x3  }
0x34: {  	[smem:$0x3FB5] =	sst s10  }
0x35: {  	s10 =	sld [smem:$0x3FB4];
	_ =	sdelay $0x3  }
0x36: {  	p1 =	seq.s32 s10, $0x1;
	s10 =	sld [smem:$0x3FB5];
	_ =	sdelay $0x3  }
0x37: {  	[smem:$0x3FB5] =	sst s10  }
0x38: {  	s10 =	sld [smem:$0x3FB6]  }
0x39: {  	_ = 	snop;
	(pc) =	sbr.ind lr, $3  }
0x3a: {  	_ = 	snop  }
0x3b: {  	_ = 	snop  }
0x3c: {  	p2 =	seq.s32 s10, $0x1;
	s10 =	sld [smem:$0x3FB5]  }
0x3d: {  	_ =	shalt  }
0x3e: {  	_ =	shalt  }
0x3f: {  	_ =	shalt  }
0x40: {  	_ =	shalt  }
0x41: {  	_ =	shalt  }
0x42: {  	_ =	shalt  }
0x43: {  	_ =	shalt  }
0x44: {  	_ =	shalt  }
0x45: {  	_ =	shalt  }
0x46: {  	_ =	shalt  }
0x47: {  	_ =	shalt  }
0x48: {  	_ =	shalt  }
0x49: {  	_ =	shalt  }
0x4a: {  	_ =	shalt  }
0x4b: {  	_ =	shalt  }
0x4c: {  	_ =	shalt  }
0x4d: {  	_ =	shalt  }
0x4e: {  	_ =	shalt  }
0x4f: {  	_ =	shalt  }
0x50: {  	_ =	shalt  }
0x51: {  	_ =	shalt  }
0x52: {  	_ =	shalt  }
0x53: {  	_ =	shalt  }
0x54: {  	_ =	shalt  }
0x55: {  	_ =	shalt  }
0x56: {  	_ =	shalt  }
0x57: {  	_ =	shalt  }
0x58: {  	_ =	shalt  }
0x59: {  	_ =	shalt  }
0x5a: {  	_ =	shalt  }
0x5b: {  	_ =	shalt  }
0x5c: {  	_ =	shalt  }
0x5d: {  	_ =	shalt  }
0x5e: {  	_ =	shalt  }
0x5f: {  	_ =	shalt  }
0x60: {  	_ =	shalt  }
0x61: {  	_ =	shalt  }
0x62: {  	_ =	shalt  }
0x63: {  	_ =	shalt  }
0x64: {  	_ =	shalt  }
0x65: {  	_ =	shalt  }
0x66: {  	_ =	shalt  }
0x67: {  	_ =	shalt  }
0x68: {  	_ =	shalt  }
0x69: {  	_ =	shalt  }
0x6a: {  	_ =	shalt  }
0x6b: {  	_ =	shalt  }
0x6c: {  	_ =	shalt  }
0x6d: {  	_ =	shalt  }
0x6e: {  	_ =	shalt  }
0x6f: {  	_ =	shalt  }
0x70: {  	_ =	shalt  }
0x71: {  	_ =	shalt  }
0x72: {  	_ =	shalt  }
0x73: {  	_ =	shalt  }
0x74: {  	_ =	shalt  }
0x75: {  	_ =	shalt  }
0x76: {  	_ =	shalt  }
0x77: {  	_ =	shalt  }
0x78: {  	_ =	shalt  }
0x79: {  	_ =	shalt  }
0x7a: {  	_ =	shalt  }
0x7b: {  	_ =	shalt  }
0x7c: {  	_ =	shalt  }
0x7d: {  	_ =	shalt  }
0x7e: {  	_ =	shalt  }
0x7f: {  	_ =	shalt  }
0x80: {  	_ =	shalt  }
0x81: {  	_ =	shalt  }
0x82: {  	_ =	shalt  }
0x83: {  	_ =	shalt  }
0x84: {  	_ =	shalt  }
0x85: {  	_ =	shalt  }
0x86: {  	_ =	shalt  }
0x87: {  	_ =	shalt  }
.Lfunc_end0:
.L_simem_size_0:
called_computation.1_lowered:
.L_overlay_start_0:
0x88: {  	s2 =	sld [smem:$0x3FD9]  }
0x89: {  	s3 =	sld [smem:$0x3FFE];
	_ =	sdelay $0x1  }
0x8a: {  	s1 =	srdreg.scid  }
0x8b: {  	s0 =	sand.u32 $0x1, s1  }
0x8c: {  	s16 =	sshll.u32 s0, $0xA;
	s2 =	sadd.s32 s3, s2  }
0x8d: {  	s2 =	sadd.s32 s2, s16  }
0x8e: {  	[smem:$0x3FC1] =	sst s2  }
0x8f: {  	_ = 	snop  }
0x90: {  	(tm) =	ssettm $0x1  }
0x91: {  	s17 =	sld [smem:$0x3FFB];
	_ =	sdelay $0x3  }
0x92: {  	_ =	strace s17  }
0x93: {  	s2 =	sld [smem:$0x3FFC];
	_ =	sdelay $0x3  }
0x94: {  	_ =	strace s2  }
0x95: {  	s2 =	sld [smem:$0x3FFD];
	_ =	sdelay $0x3  }
0x96: {  	_ =	strace s2  }
0x97: {  	_ =	strace $0x8FFFFFFF  }
0x98: {  	s18 =	sld [smem:$0x3FDB];
	_ =	sdelay $0x1  }
0x99: {  	s19 =	simm.s32 $_scs_section_size  }
0x9a: {  	s4 =	simm.s32 $_size__tile_overlayer_lowered;
	s5 =	simm.s32 $_tile_overlayer_lowered  }
0x9b: {  	s22 =	simm.s32 $0x1BFF;
	s21 =	sshll.u32 s5, $0x1;
	s2 =	sadd.s32 s19, s18  }
0x9c: {  	s6 =	simm.s32 $0x0;
	s20 =	sshll.u32 s4, $0x1;
	s4 =	sadd.s32 s21, s2  }
0x9d: {  	[timem:s6], [sflag:s22] =	dma.local [hbm:s4], s20  }
0x9e: {  	_ =	swait.ge [sflag:s22], s20  }
0x9f: {  	s3 =	ssub.s32 $0x0, s20;
	[sflag:s22] =	ssyncset.done $0x0  }
0xa0: {  	[sflag:s22] =	ssyncadd.s32 s3;
	_ =	sdelay $0x1  }
0xa1: {  	s23 =	simm.s32 $0x1B8B  }
0xa2: {  	_ =	swait.ge [sflag:s23], $0x1  }
0xa3: {  	[sflag:s23] =	ssyncset.done $0x0  }
0xa4: {  	s25 =	simm.s32 $0x1B8E;
	s24 =	sld [smem:$0x3FFE];
	[sflag:s23] =	ssyncadd.s32 $0xFFFFFFFF  }
0xa5: {  	s26 =	simm.s32 $execute0_lowered;
	[smem:$0x3FD2] =	sst s25  }
0xa6: {  	s4 =	sshll.u32 s26, $0x1;
	_ =	strace $0x80000049;
	[dreg:$0x1] =	wrdreg $0xFFFFFFFF  }
0xa7: {  	s28 =	simm.s32 $_size_execute0_lowered;
	s2 =	sadd.s32 s2, s4;
	[dreg:$0x0] =	wrdreg $0x0  }
0xa8: {  	s4 =	sshll.u32 s28, $0x1;
	[dreg:$0x2] =	wrdreg s2  }
0xa9: {  	[dreg:$0x3] =	wrdreg s4  }
0xaa: {  	[dreg:$0x4] =	wrdreg $0xC0  }
0xab: {  	_ =	task [dreg:s6], $0x5FFFF  }
0xac: {  	[dreg:$0x1] =	wrdreg $0xFFFFFFFF  }
0xad: {  	[dreg:$0x0] =	wrdreg $0x60  }
0xae: {  	[dreg:$0x2] =	wrdreg s24  }
0xaf: {  	[dreg:$0x3] =	wrdreg $0x117000  }
0xb0: {  	[dreg:$0x4] =	wrdreg $0xEF800  }
0xb1: {  	[dreg:$0x5] =	wrdreg $0x9  }
0xb2: {  	_ =	task.clear_ibuf [dreg:s6], $0x6FFFF;
	_ =	strace $0x90000049  }
0xb3: {  	s29 =	simm.s32 $0x9;
	_ =	strace $0x8000004B  }
0xb4: {  	_ =	swait.ge [sflag:s29], $0x1  }
0xb5: {  	[sflag:s29] =	ssyncadd.s32 $0xFFFFFFFF  }
0xb6: {  	_ =	strace $0x9000004B  }
0xb7: {  	_ =	sfence  }
0xb8: {  	s30 =	sld [smem:$0x0];
	_ =	sdelay $0x2  }
0xb9: {  	s31 =	sshll.u32 s1, $0xD;
	s1 =	sshrl.u32 s1, $0x2  }
0xba: {  	s3 =	sand.u32 $0x4000, s31;
	s1 =	sadd.s32 s1, s30  }
0xbb: {  	s0 =	sor.u32 s3, s0;
	s1 =	sshll.u32 s1, $0x11  }
0xbc: {  	s0 =	sor.u32 s1, s0  }
0xbd: {  	s0 =	sadd.s32 $0x8F2B, s0  }
0xbe: {  	[sflag:s0] =	ssyncadd.remote.s32 $0x1  }
0xbf: {  	_ =	sfence.sel $0xFFFF  }
0xc0: {  	[dreg:$0x0] =	wrdreg $0xFFFFFFFF;
	(pc) =	sbr.abs _section_cstart, $3  }
0xc1: {  	[dreg:$0x1] =	wrdreg $0xFFFFFFFF  }
0xc2: {  	_ =	task.clear_ibuf [dreg:s6], $0x2FFFF;
	_ =	strace $0x9FFFFFFF  }
0xc3: {  	(tm) =	ssettm $0x7FFFFFFF  }
tec
execute0_lowered:
.L_overlay_start_1:
0x0: {  	(tag) =	ssettag $0x1  }
0x1: {  	s5 =	rddreg [dreg:$0x0]  }
0x2: {  	s0 =	srdreg.scid;
	s1 =	rddreg [dreg:$0x1]  }
0x3: {  	s16 =	stileid.u32;
	s2 =	rddreg [dreg:$0x2];
	s13 =	simm.s32 $0x5000  }
0x4: {  	s14 =	simm.s32 $0x1;
	s15 =	simm.s32 $0xA000;
	s17 =	simm.s32 $0x2  }
0x5: {  	s20 =	simm.s32 $0x80;
	s21 =	simm.s32 $0x10;
	s6 =	sand.u32 $0x1, s0  }
0x6: {  	s8 =	sshrl.u32 s16, $0x3;
	s29 =	sshll.u32 s16, $0x7;
	s10 =	smul.u32 $0x9E00, s16  }
0x7: {  	p0 =	sne.s32 s16, $0x0;
	s18 =	sshll.u32 s16, $0x6;
	s7 =	smul.u32 $0x27800, s6  }
0x8: {  	s0 =	sshll.u32 s6, $0x4;
	s8 =	smul.u32 $0x13C00, s8;
	s30 =	sand.u32 $0x380, s29  }
0x9: {  	s6 =	ssub.s32 $0x2, s6;
	s18 =	sor.u32 $0x1C03, s18;
	s3 =	sor.u32 s16, s0  }
0xa: {  	s0 =	rddreg [dreg:$0x3];
	s31 =	sshrl.u32 s6, $0x1;
	s10 =	sshrl.u32 s10, $0x2  }
0xb: {  	s4 =	smul.u32 $0x500, s3;
	s3 =	simm.s32 $0x0;
	s7 =	sadd.s32 s7, s8  }
0xc: {  	s16 =	simm.s32 $0x7800;
	[smem:$0x7FF] =	sst s3;
	s7 =	sor.u32 s30, s7  }
0xd: {  	s12 =	ssub.s32 s6, s31;
	_ =	strace $0x8000004A;
	s7 =	sshrl.u32 s7, $0x3  }
0xe: {  	s9 =	sadd.s32 s4, s5;
	s4 =	sadd.s32 $0xB200, s5;
	s11 =	sadd.s32 s7, s5  }
0xf: {  	s5 =	sadd.s32 s10, s2;
	s6 =	sadd.s32 $0x15000, s9;
	s7 =	sadd.s32 $0x1200, s9  }
0x10: {  	s9 =	smax.u32 s12, $0x1;
	s10 =	simm.s32 $0xC800;
	s12 =	simm.s32 $0x2800  }
0x11: {  	v0 =	vimm.f32 $0.0e+00;
	s8 =	sadd.s32 $0x1F000, s11;
	s11 =	simm.s32 $0x3;
	s19 =	sshrl.u32 s5, $0x3  }
.LBB2_1:
0x12: {  	s22 =	simm.s32 @!p0 $0x0;
	s23 =	simm.s32 @!p0 $0x11978  }
0x13: {  	[tilespmem:s23], [sflag:$0x3] =	stream.linear.gather @!p0 [hbm4b:s4+s22], $0x2780, $0x38;
	[tilespmem:$0x140F8] =	vst v63  }
0x14: {  	s22 =	simm.s32 @!p0 $0x3  }
0x15: {  	_ =	swait.ge @!p0 [sflag:s22], $0x2780  }
0x16: {  	[sflag:s22] =	ssyncset.done @!p0 $0x0  }
0x17: {  	[sflag:s22] =	ssyncadd.s32 @!p0 $0xFFFFD880  }
0x18: {  	[spmem:s1] =	stream.linear.scatter @!p0 [tilespmem:s23], [sflag:$0x3], $0x2780, $0x38;
	[tilespmem:$0x140F8] =	vst v63  }
0x19: {  	_ =	swait.ge @!p0 [sflag:s22], $0x2780  }
0x1a: {  	[sflag:s22] =	ssyncset.done @!p0 $0x0  }
0x1b: {  	s23 =	simm.s32 $0x100;
	[sflag:s22] =	ssyncadd.s32 @!p0 $0xFFFFD880;
	s22 =	simm.s32 $0x0  }
.LBB2_2:
0x1c: {  	p1 =	sne.s32 s23, $0x9D00;
	[tilespmem:s22+$0xC830] =	vst v0;
	s24 =	smov.u32 s23;
	s23 =	sadd.s32 $0x100, s23  }
.Ltmp0:
0x1d: {  	[tilespmem:s22+$0xC820] =	vst v0;
	(pc) =	sbr.rel @p1 .LBB2_2-.Ltmp0, $3  }
0x1e: {  	[tilespmem:s22+$0xC800] =	vst v0  }
0x1f: {  	[tilespmem:s22+$0xC810] =	vst v0;
	_ =	sdelay $0x1  }
0x20: {  	s22 =	sshra.s32 s24, $0x2  }
0x21: {  	[tilespmem:s22+$0xC830] =	vst v0  }
0x22: {  	[tilespmem:s22+$0xC820] =	vst v0  }
0x23: {  	[tilespmem:s22+$0xC800] =	vst v0  }
0x24: {  	[tilespmem:s22+$0xC810] =	vst v0  }
0x25: {  	[spmem:s5] =	stream.linear.scatter [tilespmem:s10], [sflag:$0x3], $0x2780, $0x38;
	[tilespmem:$0x140F8] =	vst v63  }
0x26: {  	_ =	swait.ge [sflag:s11], $0x2780  }
0x27: {  	[sflag:s11] =	ssyncset.done $0x0  }
0x28: {  	s31 =	simm.s32 $0x0;
	[sflag:s11] =	ssyncadd.s32 $0xFFFFD880  }
0x29: {  	[tilespmem:s31], [sflag:$0x3] =	stream.linear.gather [hbm4b:s6+s31], $0x2800, $0x38;
	[tilespmem:$0x140F8] =	vst v63  }
0x2a: {  	_ =	swait.ge [sflag:s11], $0x2800  }
0x2b: {  	[sflag:s11] =	ssyncset.done $0x0  }
0x2c: {  	[sflag:s11] =	ssyncadd.s32 $0xFFFFD800  }
0x2d: {  	[tilespmem:s12], [sflag:$0x3] =	stream.linear.gather [hbm4b:s7+s31], $0x2800, $0x38;
	[tilespmem:$0x140F8] =	vst v63  }
0x2e: {  	_ =	swait.ge [sflag:s11], $0x2800  }
0x2f: {  	[sflag:s11] =	ssyncset.done $0x0  }
0x30: {  	[sflag:s11] =	ssyncadd.s32 $0xFFFFD800  }
0x31: {  	[bflag:$0x0] =	sbarrier.arrive $0xFFFF  }
0x32: {  	[tilespmem:s13], [sflag:$0x1] =	stream.indirect.gather [spmem:s1], $0x1, s12, s12, $0xb8;
	[tilespmem:$0x140F8] =	vst v63  }
0x33: {  	_ =	swait.ge [sflag:s14], $0x2800  }
0x34: {  	[sflag:s14] =	ssyncset.done $0x0  }
0x35: {  	s23 =	simm.s32 $0x0;
	[sflag:s14] =	ssyncadd.s32 $0xFFFFD800  }
0x36: {  	v2 =	vld [tilespmem:s23+$0x5030]  }
0x37: {  	v1 =	vld [tilespmem:s23+$0x5000]  }
0x38: {  	v5 =	vld [tilespmem:s23+$0x5010]  }
0x39: {  	v3 =	vld [tilespmem:s23+$0x30]  }
0x3a: {  	v6 =	vld [tilespmem:s23+$0x5020]  }
0x3b: {  	v4 =	vld [tilespmem:s23+$0x0];
	v7 =	vshrl.u32 v2, $0x1C  }
0x3c: {  	v8 =	vld [tilespmem:s23+$0x10];
	v7 =	vmul.u32 $0x2780, v7  }
0x3d: {  	s22 =	simm.s32 $0x40;
	v9 =	vld [tilespmem:s23+$0x20]  }
0x3e: {  	v10 =	vld [tilespmem:s22+$0x5030];
	v3 =	vadd.s32 v3, v7;
	v7 =	vshrl.u32 v1, $0x1C  }
0x3f: {  	v11 =	vld [tilespmem:s22+$0x5000];
	v1 =	vshll.u32 v1, $0x2;
	[tilespmem:s23+$0xA030] =	vst v3;
	v3 =	vmul.u32 $0x2780, v7  }
0x40: {  	v1 =	vand.u32 $0x3FFFFFFC, v1;
	v7 =	vshrl.u32 v5, $0x1C  }
0x41: {  	v13 =	vld [tilespmem:s22+$0x5010];
	[tilespmem:s23+$0x7800] =	vst v1;
	v1 =	vmul.u32 $0x2780, v7;
	v7 =	vshrl.u32 v6, $0x1C;
	v3 =	vadd.s32 v4, v3  }
0x42: {  	v2 =	vshll.u32 v2, $0x2;
	v4 =	vld [tilespmem:s22+$0x30];
	[tilespmem:s23+$0xA000] =	vst v3;
	v3 =	vmul.u32 $0x2780, v7  }
0x43: {  	v5 =	vshll.u32 v5, $0x2;
	v6 =	vshll.u32 v6, $0x2;
	v7 =	vadd.s32 v8, v1  }
0x44: {  	v14 =	vand.u32 $0x3FFFFFFC, v6;
	v6 =	vshrl.u32 v10, $0x1C;
	v1 =	vld [tilespmem:s22+$0x5020];
	[tilespmem:s23+$0xA010] =	vst v7;
	v7 =	vadd.s32 v9, v3  }
0x45: {  	v8 =	vand.u32 $0x3FFFFFFC, v5;
	v3 =	vld [tilespmem:s22+$0x0];
	[tilespmem:s23+$0xA020] =	vst v7;
	v7 =	vand.u32 $0x3FFFFFFC, v2;
	v2 =	vshll.u32 v10, $0x2  }
0x46: {  	v10 =	vshll.u32 v11, $0x2;
	v5 =	vld [tilespmem:s22+$0x10];
	[tilespmem:s23+$0x7810] =	vst v8;
	v8 =	vshrl.u32 v11, $0x1C;
	v11 =	vmul.u32 $0x2780, v6  }
0x47: {  	s24 =	simm.s32 $0x80;
	s25 =	simm.s32 $0x300;
	v12 =	vshrl.u32 v13, $0x1C;
	v6 =	vld [tilespmem:s22+$0x20];
	v9 =	vmul.u32 $0x2780, v8;
	v8 =	vshll.u32 v13, $0x2;
	[tilespmem:s23+$0x7820] =	vst v14  }
.LBB2_4:
0x48: {  	p1 =	sne.s32 s25, $0x9F00;
	v13 =	vld [tilespmem:s24+$0x5030];
	v10 =	vand.u32 $0x3FFFFFFC, v10;
	v12 =	vmul.u32 $0x2780, v12;
	v4 =	vadd.s32 v4, v11;
	[tilespmem:s23+$0x7830] =	vst v7;
	s23 =	smov.u32 s22;
	s22 =	smov.u32 s24  }
0x49: {  	v8 =	vand.u32 $0x3FFFFFFC, v8;
	v11 =	vld [tilespmem:s22+$0x5000];
	v7 =	vshrl.u32 v1, $0x1C;
	v1 =	vshll.u32 v1, $0x2;
	[tilespmem:s23+$0xA030] =	vst v4  }
0x4a: {  	v14 =	vld [tilespmem:s22+$0x5010];
	[tilespmem:s23+$0x7800] =	vst v10;
	v3 =	vadd.s32 v3, v9;
	v15 =	vand.u32 $0x3FFFFFFC, v1;
	v9 =	vmul.u32 $0x2780, v7  }
.Ltmp1:
0x4b: {  	v7 =	vand.u32 $0x3FFFFFFC, v2;
	v4 =	vld [tilespmem:s22+$0x30];
	[tilespmem:s23+$0xA000] =	vst v3;
	v3 =	vadd.s32 v5, v12;
	(pc) =	sbr.rel @p1 .LBB2_4-.Ltmp1, $4  }
0x4c: {  	v1 =	vld [tilespmem:s22+$0x5020];
	[tilespmem:s23+$0xA010] =	vst v3;
	v5 =	vadd.s32 v6, v9  }
0x4d: {  	v3 =	vld [tilespmem:s22+$0x0];
	v6 =	vshrl.u32 v13, $0x1C;
	v2 =	vshll.u32 v13, $0x2;
	[tilespmem:s23+$0xA020] =	vst v5  }
0x4e: {  	v9 =	vshrl.u32 v11, $0x1C;
	v10 =	vshll.u32 v11, $0x2;
	v5 =	vld [tilespmem:s22+$0x10];
	v11 =	vmul.u32 $0x2780, v6;
	[tilespmem:s23+$0x7810] =	vst v8  }
0x4f: {  	s24 =	sshra.s32 s25, $0x2;
	s25 =	sadd.s32 $0x100, s25;
	v9 =	vmul.u32 $0x2780, v9;
	v12 =	vshrl.u32 v14, $0x1C;
	v8 =	vshll.u32 v14, $0x2;
	v6 =	vld [tilespmem:s22+$0x20];
	[tilespmem:s23+$0x7820] =	vst v15  }
0x50: {  	v13 =	vld [tilespmem:s24+$0x5030];
	[tilespmem:s23+$0x7830] =	vst v7;
	v4 =	vadd.s32 v4, v11  }
0x51: {  	v51 =	vand.u32 $0x3FFFFFFC, v10;
	v7 =	vld [tilespmem:s24+$0x5000];
	[tilespmem:s22+$0xA030] =	vst v4  }
0x52: {  	v53 =	vmul.u32 $0x2780, v12;
	v55 =	vshrl.u32 v1, $0x1C;
	v52 =	vld [tilespmem:s24+$0x5010];
	[tilespmem:s22+$0x7800] =	vst v51;
	v3 =	vadd.s32 v3, v9  }
0x53: {  	v54 =	vld [tilespmem:s24+$0x30];
	[tilespmem:s22+$0xA000] =	vst v3;
	v3 =	vmul.u32 $0x2780, v55  }
0x54: {  	v4 =	vadd.s32 v5, v53  }
0x55: {  	v56 =	vld [tilespmem:s24+$0x5020];
	[tilespmem:s22+$0xA010] =	vst v4;
	v3 =	vadd.s32 v6, v3  }
0x56: {  	v1 =	vshll.u32 v1, $0x2;
	v4 =	vld [tilespmem:s24+$0x0];
	[tilespmem:s22+$0xA020] =	vst v3;
	v3 =	vand.u32 $0x3FFFFFFC, v8  }
0x57: {  	v2 =	vand.u32 $0x3FFFFFFC, v2;
	v1 =	vand.u32 $0x3FFFFFFC, v1;
	v58 =	vshrl.u32 v13, $0x1C;
	v57 =	vld [tilespmem:s24+$0x10];
	[tilespmem:s22+$0x7810] =	vst v3  }
0x58: {  	v60 =	vshrl.u32 v7, $0x1C;
	v7 =	vshll.u32 v7, $0x2;
	v3 =	vmul.u32 $0x2780, v58;
	v59 =	vld [tilespmem:s24+$0x20];
	[tilespmem:s22+$0x7820] =	vst v1  }
0x59: {  	v61 =	vshrl.u32 v52, $0x1C;
	v1 =	vmul.u32 $0x2780, v60;
	[tilespmem:s22+$0x7830] =	vst v2;
	v2 =	vand.u32 $0x3FFFFFFC, v7  }
0x5a: {  	v62 =	vmul.u32 $0x2780, v61;
	v3 =	vadd.s32 v54, v3;
	v63 =	vshrl.u32 v56, $0x1C;
	[tilespmem:s24+$0x7800] =	vst v2  }
0x5b: {  	[tilespmem:s24+$0xA030] =	vst v3;
	v1 =	vadd.s32 v4, v1;
	v2 =	vmul.u32 $0x2780, v63  }
0x5c: {  	[tilespmem:s24+$0xA000] =	vst v1;
	v1 =	vadd.s32 v57, v62  }
0x5d: {  	v3 =	vshll.u32 v52, $0x2;
	[tilespmem:s24+$0xA010] =	vst v1;
	v1 =	vadd.s32 v59, v2  }
0x5e: {  	v2 =	vand.u32 $0x3FFFFFFC, v3;
	v3 =	vshll.u32 v56, $0x2;
	[tilespmem:s24+$0xA020] =	vst v1  }
0x5f: {  	v1 =	vshll.u32 v13, $0x2;
	v3 =	vand.u32 $0x3FFFFFFC, v3;
	[tilespmem:s24+$0x7810] =	vst v2  }
0x60: {  	v1 =	vand.u32 $0x3FFFFFFC, v1;
	[tilespmem:s24+$0x7820] =	vst v3  }
0x61: {  	[tilespmem:s24+$0x7830] =	vst v1  }
0x62: {  	[bflag:$0x0] =	sbarrier.arrive $0xFFFF  }
0x63: {  	[spmem:s2] =	stream.indirect.scatter.add.f32 [tilespmem:s16], [sflag:$0x2], $0x1, s15, s12, $0xb8;
	[tilespmem:$0x140F8] =	vst v63  }
0x64: {  	_ =	swait.ge [sflag:s17], $0x2800  }
0x65: {  	s3 =	sadd.s32 $0x1, s3;
	[sflag:s17] =	ssyncset.done $0x0  }
0x66: {  	p1 =	sne.s32 s3, s9;
	[sflag:s17] =	ssyncadd.s32 $0xFFFFD800  }
.Ltmp2:
0x67: {  	[bflag:$0x0] =	sbarrier.arrive $0xFFFF;
	(pc) =	sbr.rel @p1 .LBB2_1-.Ltmp2, $4  }
0x68: {  	[hbm:s8@s20], [sflag:s18] =	dma.strided [spmem:s19@s21], $0x4F0, s14, $0x10   }
0x69: {  	_ =	swait.ge [sflag:s11], $0x4F0  }
0x6a: {  	[sflag:s11] =	ssyncset.done $0x0  }
0x6b: {  	[sflag:s11] =	ssyncadd.s32 $0xFFFFFB10  }
0x6c: {  	_ =	sfence.sel $0x180000  }
0x6d: {  	[bflag:$0x0] =	sbarrier.arrive $0xFFFF  }
0x6e: {  	_ =	strace $0x9000004A  }
0x6f: {  	s0 =	sadd.s32 @!p0 $0x100000, s0;
	[bflag:$0x2] =	sbarrier.arrive $0xFFFF  }
0x70: {  	[sflag:s0] =	ssyncadd.tile.s32 @!p0 $0x1;
	_ =	shalt  }
.Lfunc_end2:
_tile_overlayer_lowered:
.L_overlay_start_2:
0x71: {  	(tag) =	ssettag $0x2  }
0x72: {  	s0 =	rddreg [dreg:$0x0];
	s2 =	stileid.u32  }
0x73: {  	s1 =	rddreg [dreg:$0x1];
	p0 =	sne.s32 s2, $0x0  }
0x74: {  	s3 =	rddreg [dreg:$0x2];
	[bflag:$0x3] =	sbarrier.arrive $0xFFFF;
	s2 =	simm.s32 @!p0 $0x1C03  }
0x75: {  	[timem:s3], [sflag:s2] =	dma.local @!p0 [hbm:s0], s1  }
0x76: {  	s0 =	simm.s32 @!p0 $0x3  }
0x77: {  	_ =	swait.ge @!p0 [sflag:s0], s1  }
0x78: {  	s1 =	ssub.s32 @!p0 $0x0, s1;
	[sflag:s0] =	ssyncset.done @!p0 $0x0  }
0x79: {  	[sflag:s0] =	ssyncadd.s32 @!p0 s1  }
0x7a: {  	[bflag:$0x3] =	sbarrier.arrive $0xFFFF  }
0x7b: {  	_ =	shalt  }

</sc_bundles>
